<compile_context>
chip_gen: v7x
topology: tpu7x:2x2x1
jax: 0.10.2.dev20260603
libtpu: 0.0.44.dev20260713+nightly
codegen_flags: <defaults>
</compile_context>

<pallas_src>
import functools

import jax
import jax.numpy as jnp
from jax import lax
from jax.experimental import pallas as pl
from jax.experimental.pallas import tpu as pltpu
from jax.experimental.pallas import tpu_sc as plsc

IN_K = 32768
N_CH = 256
OUT_K = 8192
POS_PAD = 16

NC = 2
NS = 16
NW = NC * NS
BPW = OUT_K // NW



def _norm_body(w_ref, out_ref):
    w = w_ref[...]
    x2 = w * w
    t = x2[:, :128] + x2[:, 128:]
    tt = t.T.reshape(16, 8, t.shape[0])
    acc = tt[0]
    for j in range(1, 16):
        acc = acc + tt[j]
    p1 = acc[:4] + acc[4:]
    p2 = p1[:2] + p1[2:]
    p3 = p2[0] + p2[1]
    out_ref[...] = jnp.sqrt(p3)


def _row_norms(weights):
    R = 8192
    return pl.pallas_call(
        _norm_body,
        grid=(IN_K // R,),
        in_specs=[pl.BlockSpec((R, N_CH), lambda i: (i, 0))],
        out_specs=pl.BlockSpec((R,), lambda i: (i,)),
        out_shape=jax.ShapeDtypeStruct((IN_K,), jnp.float32),
    )(weights)



T_SORT = 16
CH = IN_K // T_SORT
RADIX = 256
NPASS = 4
DBITS = 8
NVR = CH // 16

_mesh1 = plsc.VectorSubcoreMesh(core_axis_name="c", subcore_axis_name="s",
                                num_cores=1)


@functools.partial(
    pl.kernel,
    mesh=_mesh1,
    compiler_params=pltpu.CompilerParams(needs_layout_passes=False),
    out_type=[
        jax.ShapeDtypeStruct((OUT_K,), jnp.int32),
        jax.ShapeDtypeStruct((OUT_K * 3,), jnp.int32),
    ],
    scratch_types=[
        pltpu.VMEM((CH,), jnp.float32),
        pltpu.VMEM((CH,), jnp.uint32),
        pltpu.VMEM((CH,), jnp.int32),
        pltpu.VMEM((CH,), jnp.int32),
        pltpu.VMEM((CH,), jnp.int32),
        pltpu.VMEM((CH,), jnp.int32),
        pltpu.VMEM((RADIX,), jnp.int32),
        pltpu.VMEM((RADIX,), jnp.int32),
        pltpu.VMEM((T_SORT, RADIX), jnp.int32),
        pltpu.VMEM((CH * 3,), jnp.int32),
        pltpu.VMEM_SHARED((IN_K,), jnp.uint32),
        pltpu.VMEM_SHARED((IN_K,), jnp.int32),
        pltpu.VMEM_SHARED((IN_K,), jnp.uint32),
        pltpu.VMEM_SHARED((IN_K,), jnp.int32),
        pltpu.VMEM_SHARED((T_SORT, RADIX), jnp.int32),
        pltpu.SemaphoreType.DMA,
    ],
)
def _sc_sort(norms_hbm, oidx_hbm, oidx3_hbm,
             kvf, kv, iv, pv, ov, lv, offs, counter, histl, idx3v,
             KA, IA, KB, IB, HIST, sem):
    tid = lax.axis_index("s")
    base = tid * CH
    iota = lax.iota(jnp.int32, 16)

    def zero_counter():
        z = jnp.zeros((16,), jnp.int32)
        for c in range(RADIX // 16):
            counter[pl.ds(c * 16, 16)] = z

    def digit_of(k, p):
        sh = (DBITS * p).astype(jnp.uint32)
        return ((k >> sh) & jnp.uint32(RADIX - 1)).astype(jnp.int32)

    pltpu.sync_copy(norms_hbm.at[pl.ds(base, CH)], kvf)

    def pass_body(p, _):
        didx = p % 2
        sidx = 1 - didx

        zero_counter()

        @pl.when(p == 0)
        def _():
            def body_a(v, _):
                f = kvf[pl.ds(v * 16, 16)]
                k = ~plsc.bitcast(f, jnp.uint32)
                kv[pl.ds(v * 16, 16)] = k
                iv[pl.ds(v * 16, 16)] = base + v * 16 + iota
                d = digit_of(k, p)
                occ, last = plsc.scan_count(d)
                ov[pl.ds(v * 16, 16)] = occ
                lv[pl.ds(v * 16, 16)] = last.astype(jnp.int32)
                plsc.addupdate_scatter(counter, [d], occ, mask=last)
                return 0
            lax.fori_loop(0, NVR, body_a, 0)

        @pl.when(p > 0)
        def _():
            @pl.when(sidx == 0)
            def _():
                pltpu.sync_copy(KA.at[pl.ds(base, CH)], kv)
                pltpu.sync_copy(IA.at[pl.ds(base, CH)], iv)

            @pl.when(sidx == 1)
            def _():
                pltpu.sync_copy(KB.at[pl.ds(base, CH)], kv)
                pltpu.sync_copy(IB.at[pl.ds(base, CH)], iv)

            def body_a(v, _):
                k = kv[pl.ds(v * 16, 16)]
                d = digit_of(k, p)
                occ, last = plsc.scan_count(d)
                ov[pl.ds(v * 16, 16)] = occ
                lv[pl.ds(v * 16, 16)] = last.astype(jnp.int32)
                plsc.addupdate_scatter(counter, [d], occ, mask=last)
                return 0
            lax.fori_loop(0, NVR, body_a, 0)

        pltpu.sync_copy(counter, HIST.at[tid])
        plsc.subcore_barrier()

        pltpu.sync_copy(HIST, histl)

        def body_b(dc, carry):
            tot = jnp.zeros((16,), jnp.int32)
            par = jnp.zeros((16,), jnp.int32)
            for t in range(T_SORT):
                h = histl[t, pl.ds(dc * 16, 16)]
                tot = tot + h
                m = (jnp.int32(t) < tid).astype(jnp.int32)
                par = par + h * m
            cs = plsc.cumsum(tot)
            excl = cs - tot + carry
            offs[pl.ds(dc * 16, 16)] = excl + par
            return carry + jnp.sum(tot)
        lax.fori_loop(0, RADIX // 16, body_b, jnp.int32(0))

        zero_counter()

        def body_c(v, _):
            for u in (4 * v, 4 * v + 1, 4 * v + 2, 4 * v + 3):
                k = kv[pl.ds(u * 16, 16)]
                d = digit_of(k, p)
                occ = ov[pl.ds(u * 16, 16)]
                last = lv[pl.ds(u * 16, 16)] == 1
                cnt = plsc.load_gather(counter, [d])
                off = plsc.load_gather(offs, [d])
                pv[pl.ds(u * 16, 16)] = off + cnt + occ - 1
                plsc.addupdate_scatter(counter, [d], occ, mask=last)
            return 0
        lax.fori_loop(0, NVR // 4, body_c, 0)

        @pl.when(didx == 0)
        def _():
            pltpu.sync_copy(kv, KA.at[pv])
            pltpu.sync_copy(iv, IA.at[pv])

        @pl.when(didx == 1)
        def _():
            pltpu.sync_copy(kv, KB.at[pv])
            pltpu.sync_copy(iv, IB.at[pv])
        plsc.subcore_barrier()
        return 0

    lax.fori_loop(0, NPASS, pass_body, 0)

    @pl.when(tid < OUT_K // CH)
    def _():
        pltpu.sync_copy(IB.at[pl.ds(base, CH)], iv)
        pltpu.sync_copy(iv, oidx_hbm.at[pl.ds(base, CH)])

        def body_f(v, _):
            i16 = iv[pl.ds(v * 16, 16)]
            for c in range(3):
                plsc.store_scatter(idx3v, [v * 48 + iota * 3 + c], i16 * 3 + c)
            return 0
        lax.fori_loop(0, NVR, body_f, 0)
        pltpu.sync_copy(idx3v, oidx3_hbm.at[pl.ds(base * 3, CH * 3)])



_mesh = plsc.VectorSubcoreMesh(core_axis_name="c", subcore_axis_name="s")


@functools.partial(
    pl.kernel,
    mesh=_mesh,
    out_type=[
        jax.ShapeDtypeStruct((OUT_K * 3,), jnp.float32),
        jax.ShapeDtypeStruct((OUT_K, N_CH), jnp.float32),
    ],
    scratch_types=[
        pltpu.VMEM((BPW,), jnp.int32),
        pltpu.VMEM((BPW * 3,), jnp.int32),
        pltpu.VMEM((BPW * 3,), jnp.float32),
        pltpu.VMEM((BPW, N_CH), jnp.float32),
        pltpu.SemaphoreType.DMA,
    ],
)
def _sc_gather(idx_hbm, idx3_hbm, pos_hbm, w_hbm, opos_hbm, ow_hbm,
               idx_v, idx3_v, pvals_v, wrows_v, sem):
    wid = lax.axis_index("s") * NC + lax.axis_index("c")
    base = wid * BPW
    pltpu.sync_copy(idx_hbm.at[pl.ds(base, BPW)], idx_v)
    pltpu.sync_copy(idx3_hbm.at[pl.ds(base * 3, BPW * 3)], idx3_v)
    pltpu.async_copy(pos_hbm.at[idx3_v], pvals_v, sem).wait()
    pltpu.sync_copy(pvals_v, opos_hbm.at[pl.ds(base * 3, BPW * 3)])
    pltpu.async_copy(w_hbm.at[idx_v], wrows_v, sem).wait()
    pltpu.sync_copy(wrows_v, ow_hbm.at[pl.ds(base, BPW)])



def kernel(positions, weights):
    norms = _row_norms(weights)
    idx, idx3 = _sc_sort(norms)
    pos_flat = positions.reshape(-1)
    opos_flat, ow = _sc_gather(idx, idx3, pos_flat, weights)
    return opos_flat.reshape(OUT_K, 3), ow

# --- scband reference (transcript-rebuilt; emitter-appended) ---
"""Pipeline reference for scband-kernel-pool-73065983639673 (READ-ONLY COPY).

The authoritative reference and input builder live on the scoring server;
editing this copy changes nothing except your own understanding.
"""

import jax, jax.numpy as jnp
import numpy as np

IN_KERNELS = 32768
N_DIM = 3
N_CH = 256
OUT_KERNELS = 8192


def setup_inputs(seed: int = 0) -> dict:
    key = jax.random.key(seed)
    k1, k2 = jax.random.split(key)
    positions = jax.random.normal(k1, (IN_KERNELS, N_DIM), dtype=jnp.float32)
    weights = jax.random.normal(k2, (IN_KERNELS, N_CH), dtype=jnp.float32)
    return {"positions": positions, "weights": weights}


def reference(positions, weights):
    # Mixture batch is None (single batch); strategy == 'largest'.
    # in_kernels (32768) > out_kernels (8192) -> select top-k by weight norm.
    weights_norm = jnp.linalg.norm(weights, axis=-1)  # (in_kernels,)
    _, indices = jax.lax.top_k(weights_norm, OUT_KERNELS)  # (out_kernels,)
    # torch.gather(input_positions, 0, indices[..., None].expand(-1, D)) == row gather
    output_positions = jnp.take(positions, indices, axis=0)
    output_weights = jnp.take(weights, indices, axis=0)
    return (output_positions, output_weights)

if __name__ == "__main__":
    import jax
    _d = setup_inputs()
    print(jax.jit(kernel)(*tuple(_d.values())))

</pallas_src>

<mosaic_0001>
#map = affine_map<(d0, d1) -> (0)>
#map1 = affine_map<(d0, d1) -> (0, 0)>
module attributes {stable_mosaic.version = 14 : i64} {
  func.func @_sc_gather(%arg0: i32, %arg1: i32, %arg2: memref<8192xi32, #tpu.memory_space<hbm>>, %arg3: memref<24576xi32, #tpu.memory_space<hbm>>, %arg4: memref<98304xf32, #tpu.memory_space<hbm>>, %arg5: memref<32768x256xf32, #tpu.memory_space<hbm>>, %arg6: memref<24576xf32, #tpu.memory_space<hbm>>, %arg7: memref<8192x256xf32, #tpu.memory_space<hbm>>, %arg8: memref<256xi32, #tpu.memory_space<vmem>>, %arg9: memref<768xi32, #tpu.memory_space<vmem>>, %arg10: memref<768xf32, #tpu.memory_space<vmem>>, %arg11: memref<256x256xf32, #tpu.memory_space<vmem>>, %arg12: memref<!tpu.dma_semaphore, #tpu.memory_space<semaphore_mem>>) attributes {dimension_semantics = [#tpu.dimension_semantics<core_parallel>, #tpu.dimension_semantics<subcore_parallel>], iteration_bounds = array<i64: 2, 16>, scalar_prefetch = 0 : i64, scratch_operands = 5 : i64, tpu.core_type = #tpu.core_type<sc_vector_subcore>, window_params = [{transform_indices = #map}, {transform_indices = #map}, {transform_indices = #map}, {transform_indices = #map1}, {transform_indices = #map}, {transform_indices = #map1}]} {
    %mul3A = arith.constant 2 : i32
    %mul3A_0 = arith.muli %arg1, %mul3A : i32
    %add3A = arith.addi %mul3A_0, %arg0 : i32
    %mul3A_1 = arith.constant 256 : i32
    %mul3A_2 = arith.muli %add3A, %mul3A_1 : i32
    "tpu.region"() ({
      %run_scoped3A = tpu.sem_alloc : memref<!tpu.dma_semaphore, #tpu.memory_space<semaphore_mem>>
      %dma_start3A_15 = tpu.memref_slice %arg2[%mul3A_2] : memref<8192xi32, #tpu.memory_space<hbm>> -> memref<256xi32, #tpu.memory_space<hbm>>
      %dma_start3A_16 = tpu.memref_slice %arg2[%mul3A_2] : memref<8192xi32, #tpu.memory_space<hbm>> -> memref<256xi32, #tpu.memory_space<hbm>>
      tpu.enqueue_dma source(%dma_start3A_16 : memref<256xi32, #tpu.memory_space<hbm>>) target(%arg8 : memref<256xi32, #tpu.memory_space<vmem>>) target_semaphore(%run_scoped3A : memref<!tpu.dma_semaphore, #tpu.memory_space<semaphore_mem>>)
      %dma_wait3A_17 = tpu.memref_slice %arg2[%mul3A_2] : memref<8192xi32, #tpu.memory_space<hbm>> -> memref<256xi32, #tpu.memory_space<hbm>>
      %dma_wait3A_18 = tpu.memref_slice %arg2[%mul3A_2] : memref<8192xi32, #tpu.memory_space<hbm>> -> memref<256xi32, #tpu.memory_space<hbm>>
      tpu.wait_dma2 semaphore(%run_scoped3A : memref<!tpu.dma_semaphore, #tpu.memory_space<semaphore_mem>>) src(%dma_wait3A_18 : memref<256xi32, #tpu.memory_space<hbm>>) dst(%arg8 : memref<256xi32, #tpu.memory_space<vmem>>)
      tpu.yield
    }) : () -> ()
    %mul3A_3 = arith.constant 3 : i32
    %mul3A_4 = arith.muli %mul3A_2, %mul3A_3 : i32
    "tpu.region"() ({
      %run_scoped3A = tpu.sem_alloc : memref<!tpu.dma_semaphore, #tpu.memory_space<semaphore_mem>>
      %dma_start3A_15 = tpu.memref_slice %arg3[%mul3A_4] : memref<24576xi32, #tpu.memory_space<hbm>> -> memref<768xi32, #tpu.memory_space<hbm>>
      %dma_start3A_16 = tpu.memref_slice %arg3[%mul3A_4] : memref<24576xi32, #tpu.memory_space<hbm>> -> memref<768xi32, #tpu.memory_space<hbm>>
      tpu.enqueue_dma source(%dma_start3A_16 : memref<768xi32, #tpu.memory_space<hbm>>) target(%arg9 : memref<768xi32, #tpu.memory_space<vmem>>) target_semaphore(%run_scoped3A : memref<!tpu.dma_semaphore, #tpu.memory_space<semaphore_mem>>)
      %dma_wait3A_17 = tpu.memref_slice %arg3[%mul3A_4] : memref<24576xi32, #tpu.memory_space<hbm>> -> memref<768xi32, #tpu.memory_space<hbm>>
      %dma_wait3A_18 = tpu.memref_slice %arg3[%mul3A_4] : memref<24576xi32, #tpu.memory_space<hbm>> -> memref<768xi32, #tpu.memory_space<hbm>>
      tpu.wait_dma2 semaphore(%run_scoped3A : memref<!tpu.dma_semaphore, #tpu.memory_space<semaphore_mem>>) src(%dma_wait3A_18 : memref<768xi32, #tpu.memory_space<hbm>>) dst(%arg9 : memref<768xi32, #tpu.memory_space<vmem>>)
      tpu.yield
    }) : () -> ()
    %dma_start3A = arith.constant 0 : i32
    %dma_start3A_5 = tpu.memref_slice %arg4[%dma_start3A] : memref<98304xf32, #tpu.memory_space<hbm>> -> memref<98304xf32, #tpu.memory_space<hbm>>
    tpu.enqueue_indirect_dma source(%dma_start3A_5 : memref<98304xf32, #tpu.memory_space<hbm>>) target(%arg10 : memref<768xf32, #tpu.memory_space<vmem>>) offsets(%arg9 : memref<768xi32, #tpu.memory_space<vmem>>) semaphore(%arg12 : memref<!tpu.dma_semaphore, #tpu.memory_space<semaphore_mem>>)
    %dma_wait3A = arith.constant 0 : i32
    %dma_wait3A_6 = tpu.memref_slice %arg4[%dma_wait3A] : memref<98304xf32, #tpu.memory_space<hbm>> -> memref<98304xf32, #tpu.memory_space<hbm>>
    tpu.wait_indirect_dma semaphore(%arg12 : memref<!tpu.dma_semaphore, #tpu.memory_space<semaphore_mem>>) src(%dma_wait3A_6 : memref<98304xf32, #tpu.memory_space<hbm>>) dst(%arg10 : memref<768xf32, #tpu.memory_space<vmem>>)
    %mul3A_7 = arith.constant 3 : i32
    %mul3A_8 = arith.muli %mul3A_2, %mul3A_7 : i32
    "tpu.region"() ({
      %run_scoped3A = tpu.sem_alloc : memref<!tpu.dma_semaphore, #tpu.memory_space<semaphore_mem>>
      %dma_start3A_15 = tpu.memref_slice %arg6[%mul3A_8] : memref<24576xf32, #tpu.memory_space<hbm>> -> memref<768xf32, #tpu.memory_space<hbm>>
      %dma_start3A_16 = tpu.memref_slice %arg6[%mul3A_8] : memref<24576xf32, #tpu.memory_space<hbm>> -> memref<768xf32, #tpu.memory_space<hbm>>
      tpu.enqueue_dma source(%arg10 : memref<768xf32, #tpu.memory_space<vmem>>) target(%dma_start3A_16 : memref<768xf32, #tpu.memory_space<hbm>>) target_semaphore(%run_scoped3A : memref<!tpu.dma_semaphore, #tpu.memory_space<semaphore_mem>>)
      %dma_wait3A_17 = tpu.memref_slice %arg6[%mul3A_8] : memref<24576xf32, #tpu.memory_space<hbm>> -> memref<768xf32, #tpu.memory_space<hbm>>
      %dma_wait3A_18 = tpu.memref_slice %arg6[%mul3A_8] : memref<24576xf32, #tpu.memory_space<hbm>> -> memref<768xf32, #tpu.memory_space<hbm>>
      tpu.wait_dma2 semaphore(%run_scoped3A : memref<!tpu.dma_semaphore, #tpu.memory_space<semaphore_mem>>) src(%arg10 : memref<768xf32, #tpu.memory_space<vmem>>) dst(%dma_wait3A_18 : memref<768xf32, #tpu.memory_space<hbm>>)
      tpu.yield
    }) : () -> ()
    %dma_start3A_9 = arith.constant 0 : i32
    %dma_start3A_10 = arith.constant 0 : i32
    %dma_start3A_11 = tpu.memref_slice %arg5[%dma_start3A_9, %dma_start3A_10] : memref<32768x256xf32, #tpu.memory_space<hbm>> -> memref<32768x256xf32, #tpu.memory_space<hbm>>
    tpu.enqueue_indirect_dma source(%dma_start3A_11 : memref<32768x256xf32, #tpu.memory_space<hbm>>) target(%arg11 : memref<256x256xf32, #tpu.memory_space<vmem>>) offsets(%arg8 : memref<256xi32, #tpu.memory_space<vmem>>) semaphore(%arg12 : memref<!tpu.dma_semaphore, #tpu.memory_space<semaphore_mem>>)
    %dma_wait3A_12 = arith.constant 0 : i32
    %dma_wait3A_13 = arith.constant 0 : i32
    %dma_wait3A_14 = tpu.memref_slice %arg5[%dma_wait3A_12, %dma_wait3A_13] : memref<32768x256xf32, #tpu.memory_space<hbm>> -> memref<32768x256xf32, #tpu.memory_space<hbm>>
    tpu.wait_indirect_dma semaphore(%arg12 : memref<!tpu.dma_semaphore, #tpu.memory_space<semaphore_mem>>) src(%dma_wait3A_14 : memref<32768x256xf32, #tpu.memory_space<hbm>>) dst(%arg11 : memref<256x256xf32, #tpu.memory_space<vmem>>)
    "tpu.region"() ({
      %run_scoped3A = tpu.sem_alloc : memref<!tpu.dma_semaphore, #tpu.memory_space<semaphore_mem>>
      %dma_start3A_15 = arith.constant 0 : i32
      %dma_start3A_16 = tpu.memref_slice %arg7[%mul3A_2, %dma_start3A_15] : memref<8192x256xf32, #tpu.memory_space<hbm>> -> memref<256x256xf32, #tpu.memory_space<hbm>>
      %dma_start3A_17 = arith.constant 0 : i32
      %dma_start3A_18 = tpu.memref_slice %arg7[%mul3A_2, %dma_start3A_17] : memref<8192x256xf32, #tpu.memory_space<hbm>> -> memref<256x256xf32, #tpu.memory_space<hbm>>
      tpu.enqueue_dma source(%arg11 : memref<256x256xf32, #tpu.memory_space<vmem>>) target(%dma_start3A_18 : memref<256x256xf32, #tpu.memory_space<hbm>>) target_semaphore(%run_scoped3A : memref<!tpu.dma_semaphore, #tpu.memory_space<semaphore_mem>>)
      %dma_wait3A_19 = arith.constant 0 : i32
      %dma_wait3A_20 = tpu.memref_slice %arg7[%mul3A_2, %dma_wait3A_19] : memref<8192x256xf32, #tpu.memory_space<hbm>> -> memref<256x256xf32, #tpu.memory_space<hbm>>
      %dma_wait3A_21 = arith.constant 0 : i32
      %dma_wait3A_22 = tpu.memref_slice %arg7[%mul3A_2, %dma_wait3A_21] : memref<8192x256xf32, #tpu.memory_space<hbm>> -> memref<256x256xf32, #tpu.memory_space<hbm>>
      tpu.wait_dma2 semaphore(%run_scoped3A : memref<!tpu.dma_semaphore, #tpu.memory_space<semaphore_mem>>) src(%arg11 : memref<256x256xf32, #tpu.memory_space<vmem>>) dst(%dma_wait3A_22 : memref<256x256xf32, #tpu.memory_space<hbm>>)
      tpu.yield
    }) : () -> ()
    return
  }
}

#map = affine_map<(d0, d1) -> (0)>
module attributes {stable_mosaic.version = 14 : i64} {
  func.func @_sc_sort(%arg0: i32, %arg1: i32, %arg2: memref<32768xf32, #tpu.memory_space<hbm>>, %arg3: memref<8192xi32, #tpu.memory_space<hbm>>, %arg4: memref<24576xi32, #tpu.memory_space<hbm>>, %arg5: memref<2048xf32, #tpu.memory_space<vmem>>, %arg6: memref<2048xi32, #tpu.memory_space<vmem>>, %arg7: memref<2048xi32, #tpu.memory_space<vmem>>, %arg8: memref<2048xi32, #tpu.memory_space<vmem>>, %arg9: memref<2048xi32, #tpu.memory_space<vmem>>, %arg10: memref<2048xi32, #tpu.memory_space<vmem>>, %arg11: memref<256xi32, #tpu.memory_space<vmem>>, %arg12: memref<256xi32, #tpu.memory_space<vmem>>, %arg13: memref<16x256xi32, #tpu.memory_space<vmem>>, %arg14: memref<6144xi32, #tpu.memory_space<vmem>>, %arg15: memref<32768xi32, #tpu.memory_space<vmem_shared>>, %arg16: memref<32768xi32, #tpu.memory_space<vmem_shared>>, %arg17: memref<32768xi32, #tpu.memory_space<vmem_shared>>, %arg18: memref<32768xi32, #tpu.memory_space<vmem_shared>>, %arg19: memref<16x256xi32, #tpu.memory_space<vmem_shared>>, %arg20: memref<!tpu.dma_semaphore, #tpu.memory_space<semaphore_mem>>) attributes {dimension_semantics = [#tpu.dimension_semantics<core_parallel>, #tpu.dimension_semantics<subcore_parallel>], iteration_bounds = array<i64: 1, 16>, scalar_prefetch = 0 : i64, scratch_operands = 16 : i64, tpu.core_type = #tpu.core_type<sc_vector_subcore>, window_params = [{transform_indices = #map}, {transform_indices = #map}, {transform_indices = #map}]} {
    %mul3A = arith.constant 2048 : i32
    %mul3A_0 = arith.muli %arg1, %mul3A : i32
    %iota3A = tpu.iota {dimensions = array<i32: 0>} : vector<16xi32>
    "tpu.region"() ({
      %run_scoped3A = tpu.sem_alloc : memref<!tpu.dma_semaphore, #tpu.memory_space<semaphore_mem>>
      %dma_start3A = tpu.memref_slice %arg2[%mul3A_0] : memref<32768xf32, #tpu.memory_space<hbm>> -> memref<2048xf32, #tpu.memory_space<hbm>>
      %dma_start3A_9 = tpu.memref_slice %arg2[%mul3A_0] : memref<32768xf32, #tpu.memory_space<hbm>> -> memref<2048xf32, #tpu.memory_space<hbm>>
      tpu.enqueue_dma source(%dma_start3A_9 : memref<2048xf32, #tpu.memory_space<hbm>>) target(%arg5 : memref<2048xf32, #tpu.memory_space<vmem>>) target_semaphore(%run_scoped3A : memref<!tpu.dma_semaphore, #tpu.memory_space<semaphore_mem>>)
      %dma_wait3A = tpu.memref_slice %arg2[%mul3A_0] : memref<32768xf32, #tpu.memory_space<hbm>> -> memref<2048xf32, #tpu.memory_space<hbm>>
      %dma_wait3A_10 = tpu.memref_slice %arg2[%mul3A_0] : memref<32768xf32, #tpu.memory_space<hbm>> -> memref<2048xf32, #tpu.memory_space<hbm>>
      tpu.wait_dma2 semaphore(%run_scoped3A : memref<!tpu.dma_semaphore, #tpu.memory_space<semaphore_mem>>) src(%dma_wait3A_10 : memref<2048xf32, #tpu.memory_space<hbm>>) dst(%arg5 : memref<2048xf32, #tpu.memory_space<vmem>>)
      tpu.yield
    }) : () -> ()
    %scan3A = arith.constant 0 : i32
    %scan3A_1 = arith.constant 0 : i32
    %scan3A_2 = arith.constant 4 : i32
    %scan3A_3 = arith.addi %scan3A_1, %scan3A_2 : i32
    %scan3A_4 = arith.constant 1 : i32
    %scan3A_5 = scf.for %scan3A_9 = %scan3A_1 to %scan3A_3 step %scan3A_4 iter_args(%scan3A_10 = %scan3A) -> (i32)  : i32 {
      %jit3A = arith.constant 2 : i32
      %eq3A = arith.constant 0 : i32
      %eq3A_11 = arith.cmpi eq, %jit3A, %eq3A : i32
      %jit3A_12 = arith.constant 1 : i32
      %select_n3A = arith.select %eq3A_11, %jit3A_12, %jit3A : i32
      %rem3A = arith.remsi %scan3A_9, %select_n3A : i32
      %ne3A = arith.constant 0 : i32
      %ne3A_13 = arith.cmpi ne, %rem3A, %ne3A : i32
      %lt3A_14 = arith.constant 0 : i32
      %lt3A_15 = arith.cmpi slt, %rem3A, %lt3A_14 : i32
      %lt3A_16 = arith.constant 0 : i32
      %lt3A_17 = arith.cmpi slt, %select_n3A, %lt3A_16 : i32
      %ne3A_18 = arith.xori %lt3A_15, %lt3A_17 : i1
      %and3A = arith.andi %ne3A_18, %ne3A_13 : i1
      %add3A = arith.addi %rem3A, %select_n3A : i32
      %select_n3A_19 = arith.select %and3A, %add3A, %rem3A : i32
      %sub3A = arith.constant 1 : i32
      %sub3A_20 = arith.subi %sub3A, %select_n3A_19 : i32
      %broadcast_in_dim3A = arith.constant 0 : i32
      %broadcast_in_dim3A_21 = vector.broadcast %broadcast_in_dim3A : i32 to vector<16xi32>
      %swap3A = arith.constant 0 : index
      %swap3A_22 = tpu.vector_load %arg12[%swap3A] {strides = array<i32>} : memref<256xi32, #tpu.memory_space<vmem>>, vector<16xi32>,
      tpu.vector_store %arg12[%swap3A], %broadcast_in_dim3A_21 {strides = array<i32>} : memref<256xi32, #tpu.memory_space<vmem>>, vector<16xi32>,
      %swap3A_23 = arith.constant 16 : index
      %swap3A_24 = tpu.vector_load %arg12[%swap3A_23] {strides = array<i32>} : memref<256xi32, #tpu.memory_space<vmem>>, vector<16xi32>,
      tpu.vector_store %arg12[%swap3A_23], %broadcast_in_dim3A_21 {strides = array<i32>} : memref<256xi32, #tpu.memory_space<vmem>>, vector<16xi32>,
      %swap3A_25 = arith.constant 32 : index
      %swap3A_26 = tpu.vector_load %arg12[%swap3A_25] {strides = array<i32>} : memref<256xi32, #tpu.memory_space<vmem>>, vector<16xi32>,
      tpu.vector_store %arg12[%swap3A_25], %broadcast_in_dim3A_21 {strides = array<i32>} : memref<256xi32, #tpu.memory_space<vmem>>, vector<16xi32>,
      %swap3A_27 = arith.constant 48 : index
      %swap3A_28 = tpu.vector_load %arg12[%swap3A_27] {strides = array<i32>} : memref<256xi32, #tpu.memory_space<vmem>>, vector<16xi32>,
      tpu.vector_store %arg12[%swap3A_27], %broadcast_in_dim3A_21 {strides = array<i32>} : memref<256xi32, #tpu.memory_space<vmem>>, vector<16xi32>,
      %swap3A_29 = arith.constant 64 : index
      %swap3A_30 = tpu.vector_load %arg12[%swap3A_29] {strides = array<i32>} : memref<256xi32, #tpu.memory_space<vmem>>, vector<16xi32>,
      tpu.vector_store %arg12[%swap3A_29], %broadcast_in_dim3A_21 {strides = array<i32>} : memref<256xi32, #tpu.memory_space<vmem>>, vector<16xi32>,
      %swap3A_31 = arith.constant 80 : index
      %swap3A_32 = tpu.vector_load %arg12[%swap3A_31] {strides = array<i32>} : memref<256xi32, #tpu.memory_space<vmem>>, vector<16xi32>,
      tpu.vector_store %arg12[%swap3A_31], %broadcast_in_dim3A_21 {strides = array<i32>} : memref<256xi32, #tpu.memory_space<vmem>>, vector<16xi32>,
      %swap3A_33 = arith.constant 96 : index
      %swap3A_34 = tpu.vector_load %arg12[%swap3A_33] {strides = array<i32>} : memref<256xi32, #tpu.memory_space<vmem>>, vector<16xi32>,
      tpu.vector_store %arg12[%swap3A_33], %broadcast_in_dim3A_21 {strides = array<i32>} : memref<256xi32, #tpu.memory_space<vmem>>, vector<16xi32>,
      %swap3A_35 = arith.constant 112 : index
      %swap3A_36 = tpu.vector_load %arg12[%swap3A_35] {strides = array<i32>} : memref<256xi32, #tpu.memory_space<vmem>>, vector<16xi32>,
      tpu.vector_store %arg12[%swap3A_35], %broadcast_in_dim3A_21 {strides = array<i32>} : memref<256xi32, #tpu.memory_space<vmem>>, vector<16xi32>,
      %swap3A_37 = arith.constant 128 : index
      %swap3A_38 = tpu.vector_load %arg12[%swap3A_37] {strides = array<i32>} : memref<256xi32, #tpu.memory_space<vmem>>, vector<16xi32>,
      tpu.vector_store %arg12[%swap3A_37], %broadcast_in_dim3A_21 {strides = array<i32>} : memref<256xi32, #tpu.memory_space<vmem>>, vector<16xi32>,
      %swap3A_39 = arith.constant 144 : index
      %swap3A_40 = tpu.vector_load %arg12[%swap3A_39] {strides = array<i32>} : memref<256xi32, #tpu.memory_space<vmem>>, vector<16xi32>,
      tpu.vector_store %arg12[%swap3A_39], %broadcast_in_dim3A_21 {strides = array<i32>} : memref<256xi32, #tpu.memory_space<vmem>>, vector<16xi32>,
      %swap3A_41 = arith.constant 160 : index
      %swap3A_42 = tpu.vector_load %arg12[%swap3A_41] {strides = array<i32>} : memref<256xi32, #tpu.memory_space<vmem>>, vector<16xi32>,
      tpu.vector_store %arg12[%swap3A_41], %broadcast_in_dim3A_21 {strides = array<i32>} : memref<256xi32, #tpu.memory_space<vmem>>, vector<16xi32>,
      %swap3A_43 = arith.constant 176 : index
      %swap3A_44 = tpu.vector_load %arg12[%swap3A_43] {strides = array<i32>} : memref<256xi32, #tpu.memory_space<vmem>>, vector<16xi32>,
      tpu.vector_store %arg12[%swap3A_43], %broadcast_in_dim3A_21 {strides = array<i32>} : memref<256xi32, #tpu.memory_space<vmem>>, vector<16xi32>,
      %swap3A_45 = arith.constant 192 : index
      %swap3A_46 = tpu.vector_load %arg12[%swap3A_45] {strides = array<i32>} : memref<256xi32, #tpu.memory_space<vmem>>, vector<16xi32>,
      tpu.vector_store %arg12[%swap3A_45], %broadcast_in_dim3A_21 {strides = array<i32>} : memref<256xi32, #tpu.memory_space<vmem>>, vector<16xi32>,
      %swap3A_47 = arith.constant 208 : index
      %swap3A_48 = tpu.vector_load %arg12[%swap3A_47] {strides = array<i32>} : memref<256xi32, #tpu.memory_space<vmem>>, vector<16xi32>,
      tpu.vector_store %arg12[%swap3A_47], %broadcast_in_dim3A_21 {strides = array<i32>} : memref<256xi32, #tpu.memory_space<vmem>>, vector<16xi32>,
      %swap3A_49 = arith.constant 224 : index
      %swap3A_50 = tpu.vector_load %arg12[%swap3A_49] {strides = array<i32>} : memref<256xi32, #tpu.memory_space<vmem>>, vector<16xi32>,
      tpu.vector_store %arg12[%swap3A_49], %broadcast_in_dim3A_21 {strides = array<i32>} : memref<256xi32, #tpu.memory_space<vmem>>, vector<16xi32>,
      %swap3A_51 = arith.constant 240 : index
      %swap3A_52 = tpu.vector_load %arg12[%swap3A_51] {strides = array<i32>} : memref<256xi32, #tpu.memory_space<vmem>>, vector<16xi32>,
      tpu.vector_store %arg12[%swap3A_51], %broadcast_in_dim3A_21 {strides = array<i32>} : memref<256xi32, #tpu.memory_space<vmem>>, vector<16xi32>,
      %eq3A_53 = arith.constant 0 : i32
      %eq3A_54 = arith.cmpi eq, %scan3A_9, %eq3A_53 : i32
      %convert_element_type3A_55 = arith.extui %eq3A_54 : i1 to i32
      %cond3A_56 = arith.constant 0 : i32
      %cond3A_57 = arith.cmpi ne, %convert_element_type3A_55, %cond3A_56 : i32
      scf.if %cond3A_57 {
        %scan3A_122 = arith.constant 0 : i32
        %scan3A_123 = arith.constant 0 : i32
        %scan3A_124 = arith.constant 128 : i32
        %scan3A_125 = arith.addi %scan3A_123, %scan3A_124 : i32
        %scan3A_126 = arith.constant 1 : i32
        %scan3A_127 = scf.for %scan3A_129 = %scan3A_123 to %scan3A_125 step %scan3A_126 iter_args(%scan3A_130 = %scan3A_122) -> (i32)  : i32 {
          %mul3A_131 = arith.constant 16 : i32
          %mul3A_132 = arith.muli %scan3A_129, %mul3A_131 : i32
          %get3A = arith.index_cast %mul3A_132 : i32 to index
          %get3A_133 = tpu.vector_load %arg5[%get3A] {strides = array<i32>} : memref<2048xf32, #tpu.memory_space<vmem>>, vector<16xf32>,
          %bitcast3A = vector.bitcast %get3A_133 : vector<16xf32> to vector<16xi32>
          %not3A = arith.constant dense<-1> : vector<16xi32>
          %not3A_134 = arith.xori %bitcast3A, %not3A : vector<16xi32>
          %mul3A_135 = arith.constant 16 : i32
          %mul3A_136 = arith.muli %scan3A_129, %mul3A_135 : i32
          %swap3A_137 = arith.index_cast %mul3A_136 : i32 to index
          %swap3A_138 = tpu.vector_load %arg6[%swap3A_137] {strides = array<i32>} : memref<2048xi32, #tpu.memory_space<vmem>>, vector<16xi32>,
          tpu.vector_store %arg6[%swap3A_137], %not3A_134 {strides = array<i32>} : memref<2048xi32, #tpu.memory_space<vmem>>, vector<16xi32>,
          %mul3A_139 = arith.constant 16 : i32
          %mul3A_140 = arith.muli %scan3A_129, %mul3A_139 : i32
          %add3A_141 = arith.addi %mul3A_0, %mul3A_140 : i32
          %add3A_142 = vector.broadcast %add3A_141 : i32 to vector<16xi32>
          %add3A_143 = arith.addi %add3A_142, %iota3A : vector<16xi32>
          %mul3A_144 = arith.constant 16 : i32
          %mul3A_145 = arith.muli %scan3A_129, %mul3A_144 : i32
          %swap3A_146 = arith.index_cast %mul3A_145 : i32 to index
          %swap3A_147 = tpu.vector_load %arg7[%swap3A_146] {strides = array<i32>} : memref<2048xi32, #tpu.memory_space<vmem>>, vector<16xi32>,
          tpu.vector_store %arg7[%swap3A_146], %add3A_143 {strides = array<i32>} : memref<2048xi32, #tpu.memory_space<vmem>>, vector<16xi32>,
          %mul3A_148 = arith.constant 8 : i32
          %mul3A_149 = arith.muli %mul3A_148, %scan3A_9 : i32
          %shift_right_logical3A = vector.broadcast %mul3A_149 : i32 to vector<16xi32>
          %shift_right_logical3A_150 = arith.shrui %not3A_134, %shift_right_logical3A : vector<16xi32>
          %and3A_151 = arith.constant 255 : i32
          %and3A_152 = vector.broadcast %and3A_151 : i32 to vector<16xi32>
          %and3A_153 = arith.andi %shift_right_logical3A_150, %and3A_152 : vector<16xi32>
          %broadcast_in_dim3A_154 = arith.constant true
          %broadcast_in_dim3A_155 = vector.broadcast %broadcast_in_dim3A_154 : i1 to vector<16xi1>
          %unique3A, %unique3A_156 = tpu.scan_count mask(%broadcast_in_dim3A_155 : vector<16xi1>) value(%and3A_153 : vector<16xi32>) : vector<16xi1>, vector<16xi32>
          %mul3A_157 = arith.constant 16 : i32
          %mul3A_158 = arith.muli %scan3A_129, %mul3A_157 : i32
          %swap3A_159 = arith.index_cast %mul3A_158 : i32 to index
          %swap3A_160 = tpu.vector_load %arg9[%swap3A_159] {strides = array<i32>} : memref<2048xi32, #tpu.memory_space<vmem>>, vector<16xi32>,
          tpu.vector_store %arg9[%swap3A_159], %unique3A_156 {strides = array<i32>} : memref<2048xi32, #tpu.memory_space<vmem>>, vector<16xi32>,
          %convert_element_type3A_161 = arith.extui %unique3A : vector<16xi1> to vector<16xi32>
          %mul3A_162 = arith.constant 16 : i32
          %mul3A_163 = arith.muli %scan3A_129, %mul3A_162 : i32
          %swap3A_164 = arith.index_cast %mul3A_163 : i32 to index
          %swap3A_165 = tpu.vector_load %arg10[%swap3A_164] {strides = array<i32>} : memref<2048xi32, #tpu.memory_space<vmem>>, vector<16xi32>,
          tpu.vector_store %arg10[%swap3A_164], %convert_element_type3A_161 {strides = array<i32>} : memref<2048xi32, #tpu.memory_space<vmem>>, vector<16xi32>,
          tpu.vector_store_idx %arg12[%and3A_153], %unique3A_156 masked %unique3A {add = true} : memref<256xi32, #tpu.memory_space<vmem>>[vector<16xi32>], vector<16xi32>, vector<16xi1>
          %scan3A_166 = arith.constant 0 : i32
          scf.yield %scan3A_166 : i32
        }
        %scan3A_128 = arith.constant 128 : i32
      } else {
      }
      %gt3A = arith.constant 0 : i32
      %gt3A_58 = arith.cmpi sgt, %scan3A_9, %gt3A : i32
      %convert_element_type3A_59 = arith.extui %gt3A_58 : i1 to i32
      %cond3A_60 = arith.constant 0 : i32
      %cond3A_61 = arith.cmpi ne, %convert_element_type3A_59, %cond3A_60 : i32
      scf.if %cond3A_61 {
        %eq3A_122 = arith.constant 0 : i32
        %eq3A_123 = arith.cmpi eq, %sub3A_20, %eq3A_122 : i32
        %convert_element_type3A_124 = arith.extui %eq3A_123 : i1 to i32
        %cond3A_125 = arith.constant 0 : i32
        %cond3A_126 = arith.cmpi ne, %convert_element_type3A_124, %cond3A_125 : i32
        scf.if %cond3A_126 {
          "tpu.region"() ({
            %run_scoped3A = tpu.sem_alloc : memref<!tpu.dma_semaphore, #tpu.memory_space<semaphore_mem>>
            %dma_start3A = tpu.memref_slice %arg15[%mul3A_0] : memref<32768xi32, #tpu.memory_space<vmem_shared>> -> memref<2048xi32, #tpu.memory_space<vmem_shared>>
            %dma_start3A_139 = tpu.memref_slice %arg15[%mul3A_0] : memref<32768xi32, #tpu.memory_space<vmem_shared>> -> memref<2048xi32, #tpu.memory_space<vmem_shared>>
            tpu.enqueue_dma source(%dma_start3A_139 : memref<2048xi32, #tpu.memory_space<vmem_shared>>) target(%arg6 : memref<2048xi32, #tpu.memory_space<vmem>>) target_semaphore(%run_scoped3A : memref<!tpu.dma_semaphore, #tpu.memory_space<semaphore_mem>>)
            %dma_wait3A = tpu.memref_slice %arg15[%mul3A_0] : memref<32768xi32, #tpu.memory_space<vmem_shared>> -> memref<2048xi32, #tpu.memory_space<vmem_shared>>
            %dma_wait3A_140 = tpu.memref_slice %arg15[%mul3A_0] : memref<32768xi32, #tpu.memory_space<vmem_shared>> -> memref<2048xi32, #tpu.memory_space<vmem_shared>>
            tpu.wait_dma2 semaphore(%run_scoped3A : memref<!tpu.dma_semaphore, #tpu.memory_space<semaphore_mem>>) src(%dma_wait3A_140 : memref<2048xi32, #tpu.memory_space<vmem_shared>>) dst(%arg6 : memref<2048xi32, #tpu.memory_space<vmem>>)
            tpu.yield
          }) : () -> ()
          "tpu.region"() ({
            %run_scoped3A = tpu.sem_alloc : memref<!tpu.dma_semaphore, #tpu.memory_space<semaphore_mem>>
            %dma_start3A = tpu.memref_slice %arg16[%mul3A_0] : memref<32768xi32, #tpu.memory_space<vmem_shared>> -> memref<2048xi32, #tpu.memory_space<vmem_shared>>
            %dma_start3A_139 = tpu.memref_slice %arg16[%mul3A_0] : memref<32768xi32, #tpu.memory_space<vmem_shared>> -> memref<2048xi32, #tpu.memory_space<vmem_shared>>
            tpu.enqueue_dma source(%dma_start3A_139 : memref<2048xi32, #tpu.memory_space<vmem_shared>>) target(%arg7 : memref<2048xi32, #tpu.memory_space<vmem>>) target_semaphore(%run_scoped3A : memref<!tpu.dma_semaphore, #tpu.memory_space<semaphore_mem>>)
            %dma_wait3A = tpu.memref_slice %arg16[%mul3A_0] : memref<32768xi32, #tpu.memory_space<vmem_shared>> -> memref<2048xi32, #tpu.memory_space<vmem_shared>>
            %dma_wait3A_140 = tpu.memref_slice %arg16[%mul3A_0] : memref<32768xi32, #tpu.memory_space<vmem_shared>> -> memref<2048xi32, #tpu.memory_space<vmem_shared>>
            tpu.wait_dma2 semaphore(%run_scoped3A : memref<!tpu.dma_semaphore, #tpu.memory_space<semaphore_mem>>) src(%dma_wait3A_140 : memref<2048xi32, #tpu.memory_space<vmem_shared>>) dst(%arg7 : memref<2048xi32, #tpu.memory_space<vmem>>)
            tpu.yield
          }) : () -> ()
        } else {
        }
        %eq3A_127 = arith.constant 1 : i32
        %eq3A_128 = arith.cmpi eq, %sub3A_20, %eq3A_127 : i32
        %convert_element_type3A_129 = arith.extui %eq3A_128 : i1 to i32
        %cond3A_130 = arith.constant 0 : i32
        %cond3A_131 = arith.cmpi ne, %convert_element_type3A_129, %cond3A_130 : i32
        scf.if %cond3A_131 {
          "tpu.region"() ({
            %run_scoped3A = tpu.sem_alloc : memref<!tpu.dma_semaphore, #tpu.memory_space<semaphore_mem>>
            %dma_start3A = tpu.memref_slice %arg17[%mul3A_0] : memref<32768xi32, #tpu.memory_space<vmem_shared>> -> memref<2048xi32, #tpu.memory_space<vmem_shared>>
            %dma_start3A_139 = tpu.memref_slice %arg17[%mul3A_0] : memref<32768xi32, #tpu.memory_space<vmem_shared>> -> memref<2048xi32, #tpu.memory_space<vmem_shared>>
            tpu.enqueue_dma source(%dma_start3A_139 : memref<2048xi32, #tpu.memory_space<vmem_shared>>) target(%arg6 : memref<2048xi32, #tpu.memory_space<vmem>>) target_semaphore(%run_scoped3A : memref<!tpu.dma_semaphore, #tpu.memory_space<semaphore_mem>>)
            %dma_wait3A = tpu.memref_slice %arg17[%mul3A_0] : memref<32768xi32, #tpu.memory_space<vmem_shared>> -> memref<2048xi32, #tpu.memory_space<vmem_shared>>
            %dma_wait3A_140 = tpu.memref_slice %arg17[%mul3A_0] : memref<32768xi32, #tpu.memory_space<vmem_shared>> -> memref<2048xi32, #tpu.memory_space<vmem_shared>>
            tpu.wait_dma2 semaphore(%run_scoped3A : memref<!tpu.dma_semaphore, #tpu.memory_space<semaphore_mem>>) src(%dma_wait3A_140 : memref<2048xi32, #tpu.memory_space<vmem_shared>>) dst(%arg6 : memref<2048xi32, #tpu.memory_space<vmem>>)
            tpu.yield
          }) : () -> ()
          "tpu.region"() ({
            %run_scoped3A = tpu.sem_alloc : memref<!tpu.dma_semaphore, #tpu.memory_space<semaphore_mem>>
            %dma_start3A = tpu.memref_slice %arg18[%mul3A_0] : memref<32768xi32, #tpu.memory_space<vmem_shared>> -> memref<2048xi32, #tpu.memory_space<vmem_shared>>
            %dma_start3A_139 = tpu.memref_slice %arg18[%mul3A_0] : memref<32768xi32, #tpu.memory_space<vmem_shared>> -> memref<2048xi32, #tpu.memory_space<vmem_shared>>
            tpu.enqueue_dma source(%dma_start3A_139 : memref<2048xi32, #tpu.memory_space<vmem_shared>>) target(%arg7 : memref<2048xi32, #tpu.memory_space<vmem>>) target_semaphore(%run_scoped3A : memref<!tpu.dma_semaphore, #tpu.memory_space<semaphore_mem>>)
            %dma_wait3A = tpu.memref_slice %arg18[%mul3A_0] : memref<32768xi32, #tpu.memory_space<vmem_shared>> -> memref<2048xi32, #tpu.memory_space<vmem_shared>>
            %dma_wait3A_140 = tpu.memref_slice %arg18[%mul3A_0] : memref<32768xi32, #tpu.memory_space<vmem_shared>> -> memref<2048xi32, #tpu.memory_space<vmem_shared>>
            tpu.wait_dma2 semaphore(%run_scoped3A : memref<!tpu.dma_semaphore, #tpu.memory_space<semaphore_mem>>) src(%dma_wait3A_140 : memref<2048xi32, #tpu.memory_space<vmem_shared>>) dst(%arg7 : memref<2048xi32, #tpu.memory_space<vmem>>)
            tpu.yield
          }) : () -> ()
        } else {
        }
        %scan3A_132 = arith.constant 0 : i32
        %scan3A_133 = arith.constant 0 : i32
        %scan3A_134 = arith.constant 128 : i32
        %scan3A_135 = arith.addi %scan3A_133, %scan3A_134 : i32
        %scan3A_136 = arith.constant 1 : i32
        %scan3A_137 = scf.for %scan3A_139 = %scan3A_133 to %scan3A_135 step %scan3A_136 iter_args(%scan3A_140 = %scan3A_132) -> (i32)  : i32 {
          %mul3A_141 = arith.constant 16 : i32
          %mul3A_142 = arith.muli %scan3A_139, %mul3A_141 : i32
          %get3A = arith.index_cast %mul3A_142 : i32 to index
          %get3A_143 = tpu.vector_load %arg6[%get3A] {strides = array<i32>} : memref<2048xi32, #tpu.memory_space<vmem>>, vector<16xi32>,
          %mul3A_144 = arith.constant 8 : i32
          %mul3A_145 = arith.muli %mul3A_144, %scan3A_9 : i32
          %shift_right_logical3A = vector.broadcast %mul3A_145 : i32 to vector<16xi32>
          %shift_right_logical3A_146 = arith.shrui %get3A_143, %shift_right_logical3A : vector<16xi32>
          %and3A_147 = arith.constant 255 : i32
          %and3A_148 = vector.broadcast %and3A_147 : i32 to vector<16xi32>
          %and3A_149 = arith.andi %shift_right_logical3A_146, %and3A_148 : vector<16xi32>
          %broadcast_in_dim3A_150 = arith.constant true
          %broadcast_in_dim3A_151 = vector.broadcast %broadcast_in_dim3A_150 : i1 to vector<16xi1>
          %unique3A, %unique3A_152 = tpu.scan_count mask(%broadcast_in_dim3A_151 : vector<16xi1>) value(%and3A_149 : vector<16xi32>) : vector<16xi1>, vector<16xi32>
          %mul3A_153 = arith.constant 16 : i32
          %mul3A_154 = arith.muli %scan3A_139, %mul3A_153 : i32
          %swap3A_155 = arith.index_cast %mul3A_154 : i32 to index
          %swap3A_156 = tpu.vector_load %arg9[%swap3A_155] {strides = array<i32>} : memref<2048xi32, #tpu.memory_space<vmem>>, vector<16xi32>,
          tpu.vector_store %arg9[%swap3A_155], %unique3A_152 {strides = array<i32>} : memref<2048xi32, #tpu.memory_space<vmem>>, vector<16xi32>,
          %convert_element_type3A_157 = arith.extui %unique3A : vector<16xi1> to vector<16xi32>
          %mul3A_158 = arith.constant 16 : i32
          %mul3A_159 = arith.muli %scan3A_139, %mul3A_158 : i32
          %swap3A_160 = arith.index_cast %mul3A_159 : i32 to index
          %swap3A_161 = tpu.vector_load %arg10[%swap3A_160] {strides = array<i32>} : memref<2048xi32, #tpu.memory_space<vmem>>, vector<16xi32>,
          tpu.vector_store %arg10[%swap3A_160], %convert_element_type3A_157 {strides = array<i32>} : memref<2048xi32, #tpu.memory_space<vmem>>, vector<16xi32>,
          tpu.vector_store_idx %arg12[%and3A_149], %unique3A_152 masked %unique3A {add = true} : memref<256xi32, #tpu.memory_space<vmem>>[vector<16xi32>], vector<16xi32>, vector<16xi1>
          %scan3A_162 = arith.constant 0 : i32
          scf.yield %scan3A_162 : i32
        }
        %scan3A_138 = arith.constant 128 : i32
      } else {
      }
      "tpu.region"() ({
        %run_scoped3A = tpu.sem_alloc : memref<!tpu.dma_semaphore, #tpu.memory_space<semaphore_mem>>
        %dma_start3A = arith.constant 0 : i32
        %dma_start3A_122 = tpu.memref_slice %arg19[%arg1, %dma_start3A] : memref<16x256xi32, #tpu.memory_space<vmem_shared>> -> memref<1x256xi32, #tpu.memory_space<vmem_shared>>
        %dma_start3A_123 = tpu.memref_squeeze %dma_start3A_122 : memref<1x256xi32, #tpu.memory_space<vmem_shared>> -> memref<256xi32, #tpu.memory_space<vmem_shared>>
        %dma_start3A_124 = arith.constant 0 : i32
        %dma_start3A_125 = tpu.memref_slice %arg19[%arg1, %dma_start3A_124] : memref<16x256xi32, #tpu.memory_space<vmem_shared>> -> memref<1x256xi32, #tpu.memory_space<vmem_shared>>
        %dma_start3A_126 = tpu.memref_squeeze %dma_start3A_125 : memref<1x256xi32, #tpu.memory_space<vmem_shared>> -> memref<256xi32, #tpu.memory_space<vmem_shared>>
        tpu.enqueue_dma source(%arg12 : memref<256xi32, #tpu.memory_space<vmem>>) target(%dma_start3A_126 : memref<256xi32, #tpu.memory_space<vmem_shared>>) target_semaphore(%run_scoped3A : memref<!tpu.dma_semaphore, #tpu.memory_space<semaphore_mem>>)
        %dma_wait3A = arith.constant 0 : i32
        %dma_wait3A_127 = tpu.memref_slice %arg19[%arg1, %dma_wait3A] : memref<16x256xi32, #tpu.memory_space<vmem_shared>> -> memref<1x256xi32, #tpu.memory_space<vmem_shared>>
        %dma_wait3A_128 = tpu.memref_squeeze %dma_wait3A_127 : memref<1x256xi32, #tpu.memory_space<vmem_shared>> -> memref<256xi32, #tpu.memory_space<vmem_shared>>
        %dma_wait3A_129 = arith.constant 0 : i32
        %dma_wait3A_130 = tpu.memref_slice %arg19[%arg1, %dma_wait3A_129] : memref<16x256xi32, #tpu.memory_space<vmem_shared>> -> memref<1x256xi32, #tpu.memory_space<vmem_shared>>
        %dma_wait3A_131 = tpu.memref_squeeze %dma_wait3A_130 : memref<1x256xi32, #tpu.memory_space<vmem_shared>> -> memref<256xi32, #tpu.memory_space<vmem_shared>>
        tpu.wait_dma2 semaphore(%run_scoped3A : memref<!tpu.dma_semaphore, #tpu.memory_space<semaphore_mem>>) src(%arg12 : memref<256xi32, #tpu.memory_space<vmem>>) dst(%dma_wait3A_131 : memref<256xi32, #tpu.memory_space<vmem_shared>>)
        tpu.yield
      }) : () -> ()
      %barrier3A = arith.constant 0 : index
      tpu.barrier barrier_id(%barrier3A)
      "tpu.region"() ({
        %run_scoped3A = tpu.sem_alloc : memref<!tpu.dma_semaphore, #tpu.memory_space<semaphore_mem>>
        tpu.enqueue_dma source(%arg19 : memref<16x256xi32, #tpu.memory_space<vmem_shared>>) target(%arg13 : memref<16x256xi32, #tpu.memory_space<vmem>>) target_semaphore(%run_scoped3A : memref<!tpu.dma_semaphore, #tpu.memory_space<semaphore_mem>>)
        tpu.wait_dma2 semaphore(%run_scoped3A : memref<!tpu.dma_semaphore, #tpu.memory_space<semaphore_mem>>) src(%arg19 : memref<16x256xi32, #tpu.memory_space<vmem_shared>>) dst(%arg13 : memref<16x256xi32, #tpu.memory_space<vmem>>)
        tpu.yield
      }) : () -> ()
      %scan3A_62 = arith.constant 0 : i32
      %scan3A_63 = arith.constant 0 : i32
      %scan3A_64 = arith.constant 16 : i32
      %scan3A_65 = arith.addi %scan3A_63, %scan3A_64 : i32
      %scan3A_66 = arith.constant 1 : i32
      %scan3A_67 = scf.for %scan3A_122 = %scan3A_63 to %scan3A_65 step %scan3A_66 iter_args(%scan3A_123 = %scan3A_62) -> (i32)  : i32 {
        %broadcast_in_dim3A_124 = arith.constant 0 : i32
        %broadcast_in_dim3A_125 = vector.broadcast %broadcast_in_dim3A_124 : i32 to vector<16xi32>
        %broadcast_in_dim3A_126 = arith.constant 0 : i32
        %broadcast_in_dim3A_127 = vector.broadcast %broadcast_in_dim3A_126 : i32 to vector<16xi32>
        %mul3A_128 = arith.constant 16 : i32
        %mul3A_129 = arith.muli %scan3A_122, %mul3A_128 : i32
        %get3A = arith.constant 0 : i32
        %get3A_130 = arith.index_cast %get3A : i32 to index
        %get3A_131 = arith.index_cast %mul3A_129 : i32 to index
        %get3A_132 = tpu.vector_load %arg13[%get3A_130, %get3A_131] {strides = array<i32>} : memref<16x256xi32, #tpu.memory_space<vmem>>, vector<16xi32>,
        %add3A_133 = arith.addi %broadcast_in_dim3A_125, %get3A_132 : vector<16xi32>
        %lt3A_134 = arith.constant 0 : i32
        %lt3A_135 = arith.cmpi slt, %lt3A_134, %arg1 : i32
        %convert_element_type3A_136 = arith.extui %lt3A_135 : i1 to i32
        %mul3A_137 = vector.broadcast %convert_element_type3A_136 : i32 to vector<16xi32>
        %mul3A_138 = arith.muli %get3A_132, %mul3A_137 : vector<16xi32>
        %add3A_139 = arith.addi %broadcast_in_dim3A_127, %mul3A_138 : vector<16xi32>
        %mul3A_140 = arith.constant 16 : i32
        %mul3A_141 = arith.muli %scan3A_122, %mul3A_140 : i32
        %get3A_142 = arith.constant 1 : i32
        %get3A_143 = arith.index_cast %get3A_142 : i32 to index
        %get3A_144 = arith.index_cast %mul3A_141 : i32 to index
        %get3A_145 = tpu.vector_load %arg13[%get3A_143, %get3A_144] {strides = array<i32>} : memref<16x256xi32, #tpu.memory_space<vmem>>, vector<16xi32>,
        %add3A_146 = arith.addi %add3A_133, %get3A_145 : vector<16xi32>
        %lt3A_147 = arith.constant 1 : i32
        %lt3A_148 = arith.cmpi slt, %lt3A_147, %arg1 : i32
        %convert_element_type3A_149 = arith.extui %lt3A_148 : i1 to i32
        %mul3A_150 = vector.broadcast %convert_element_type3A_149 : i32 to vector<16xi32>
        %mul3A_151 = arith.muli %get3A_145, %mul3A_150 : vector<16xi32>
        %add3A_152 = arith.addi %add3A_139, %mul3A_151 : vector<16xi32>
        %mul3A_153 = arith.constant 16 : i32
        %mul3A_154 = arith.muli %scan3A_122, %mul3A_153 : i32
        %get3A_155 = arith.constant 2 : i32
        %get3A_156 = arith.index_cast %get3A_155 : i32 to index
        %get3A_157 = arith.index_cast %mul3A_154 : i32 to index
        %get3A_158 = tpu.vector_load %arg13[%get3A_156, %get3A_157] {strides = array<i32>} : memref<16x256xi32, #tpu.memory_space<vmem>>, vector<16xi32>,
        %add3A_159 = arith.addi %add3A_146, %get3A_158 : vector<16xi32>
        %lt3A_160 = arith.constant 2 : i32
        %lt3A_161 = arith.cmpi slt, %lt3A_160, %arg1 : i32
        %convert_element_type3A_162 = arith.extui %lt3A_161 : i1 to i32
        %mul3A_163 = vector.broadcast %convert_element_type3A_162 : i32 to vector<16xi32>
        %mul3A_164 = arith.muli %get3A_158, %mul3A_163 : vector<16xi32>
        %add3A_165 = arith.addi %add3A_152, %mul3A_164 : vector<16xi32>
        %mul3A_166 = arith.constant 16 : i32
        %mul3A_167 = arith.muli %scan3A_122, %mul3A_166 : i32
        %get3A_168 = arith.constant 3 : i32
        %get3A_169 = arith.index_cast %get3A_168 : i32 to index
        %get3A_170 = arith.index_cast %mul3A_167 : i32 to index
        %get3A_171 = tpu.vector_load %arg13[%get3A_169, %get3A_170] {strides = array<i32>} : memref<16x256xi32, #tpu.memory_space<vmem>>, vector<16xi32>,
        %add3A_172 = arith.addi %add3A_159, %get3A_171 : vector<16xi32>
        %lt3A_173 = arith.constant 3 : i32
        %lt3A_174 = arith.cmpi slt, %lt3A_173, %arg1 : i32
        %convert_element_type3A_175 = arith.extui %lt3A_174 : i1 to i32
        %mul3A_176 = vector.broadcast %convert_element_type3A_175 : i32 to vector<16xi32>
        %mul3A_177 = arith.muli %get3A_171, %mul3A_176 : vector<16xi32>
        %add3A_178 = arith.addi %add3A_165, %mul3A_177 : vector<16xi32>
        %mul3A_179 = arith.constant 16 : i32
        %mul3A_180 = arith.muli %scan3A_122, %mul3A_179 : i32
        %get3A_181 = arith.constant 4 : i32
        %get3A_182 = arith.index_cast %get3A_181 : i32 to index
        %get3A_183 = arith.index_cast %mul3A_180 : i32 to index
        %get3A_184 = tpu.vector_load %arg13[%get3A_182, %get3A_183] {strides = array<i32>} : memref<16x256xi32, #tpu.memory_space<vmem>>, vector<16xi32>,
        %add3A_185 = arith.addi %add3A_172, %get3A_184 : vector<16xi32>
        %lt3A_186 = arith.constant 4 : i32
        %lt3A_187 = arith.cmpi slt, %lt3A_186, %arg1 : i32
        %convert_element_type3A_188 = arith.extui %lt3A_187 : i1 to i32
        %mul3A_189 = vector.broadcast %convert_element_type3A_188 : i32 to vector<16xi32>
        %mul3A_190 = arith.muli %get3A_184, %mul3A_189 : vector<16xi32>
        %add3A_191 = arith.addi %add3A_178, %mul3A_190 : vector<16xi32>
        %mul3A_192 = arith.constant 16 : i32
        %mul3A_193 = arith.muli %scan3A_122, %mul3A_192 : i32
        %get3A_194 = arith.constant 5 : i32
        %get3A_195 = arith.index_cast %get3A_194 : i32 to index
        %get3A_196 = arith.index_cast %mul3A_193 : i32 to index
        %get3A_197 = tpu.vector_load %arg13[%get3A_195, %get3A_196] {strides = array<i32>} : memref<16x256xi32, #tpu.memory_space<vmem>>, vector<16xi32>,
        %add3A_198 = arith.addi %add3A_185, %get3A_197 : vector<16xi32>
        %lt3A_199 = arith.constant 5 : i32
        %lt3A_200 = arith.cmpi slt, %lt3A_199, %arg1 : i32
        %convert_element_type3A_201 = arith.extui %lt3A_200 : i1 to i32
        %mul3A_202 = vector.broadcast %convert_element_type3A_201 : i32 to vector<16xi32>
        %mul3A_203 = arith.muli %get3A_197, %mul3A_202 : vector<16xi32>
        %add3A_204 = arith.addi %add3A_191, %mul3A_203 : vector<16xi32>
        %mul3A_205 = arith.constant 16 : i32
        %mul3A_206 = arith.muli %scan3A_122, %mul3A_205 : i32
        %get3A_207 = arith.constant 6 : i32
        %get3A_208 = arith.index_cast %get3A_207 : i32 to index
        %get3A_209 = arith.index_cast %mul3A_206 : i32 to index
        %get3A_210 = tpu.vector_load %arg13[%get3A_208, %get3A_209] {strides = array<i32>} : memref<16x256xi32, #tpu.memory_space<vmem>>, vector<16xi32>,
        %add3A_211 = arith.addi %add3A_198, %get3A_210 : vector<16xi32>
        %lt3A_212 = arith.constant 6 : i32
        %lt3A_213 = arith.cmpi slt, %lt3A_212, %arg1 : i32
        %convert_element_type3A_214 = arith.extui %lt3A_213 : i1 to i32
        %mul3A_215 = vector.broadcast %convert_element_type3A_214 : i32 to vector<16xi32>
        %mul3A_216 = arith.muli %get3A_210, %mul3A_215 : vector<16xi32>
        %add3A_217 = arith.addi %add3A_204, %mul3A_216 : vector<16xi32>
        %mul3A_218 = arith.constant 16 : i32
        %mul3A_219 = arith.muli %scan3A_122, %mul3A_218 : i32
        %get3A_220 = arith.constant 7 : i32
        %get3A_221 = arith.index_cast %get3A_220 : i32 to index
        %get3A_222 = arith.index_cast %mul3A_219 : i32 to index
        %get3A_223 = tpu.vector_load %arg13[%get3A_221, %get3A_222] {strides = array<i32>} : memref<16x256xi32, #tpu.memory_space<vmem>>, vector<16xi32>,
        %add3A_224 = arith.addi %add3A_211, %get3A_223 : vector<16xi32>
        %lt3A_225 = arith.constant 7 : i32
        %lt3A_226 = arith.cmpi slt, %lt3A_225, %arg1 : i32
        %convert_element_type3A_227 = arith.extui %lt3A_226 : i1 to i32
        %mul3A_228 = vector.broadcast %convert_element_type3A_227 : i32 to vector<16xi32>
        %mul3A_229 = arith.muli %get3A_223, %mul3A_228 : vector<16xi32>
        %add3A_230 = arith.addi %add3A_217, %mul3A_229 : vector<16xi32>
        %mul3A_231 = arith.constant 16 : i32
        %mul3A_232 = arith.muli %scan3A_122, %mul3A_231 : i32
        %get3A_233 = arith.constant 8 : i32
        %get3A_234 = arith.index_cast %get3A_233 : i32 to index
        %get3A_235 = arith.index_cast %mul3A_232 : i32 to index
        %get3A_236 = tpu.vector_load %arg13[%get3A_234, %get3A_235] {strides = array<i32>} : memref<16x256xi32, #tpu.memory_space<vmem>>, vector<16xi32>,
        %add3A_237 = arith.addi %add3A_224, %get3A_236 : vector<16xi32>
        %lt3A_238 = arith.constant 8 : i32
        %lt3A_239 = arith.cmpi slt, %lt3A_238, %arg1 : i32
        %convert_element_type3A_240 = arith.extui %lt3A_239 : i1 to i32
        %mul3A_241 = vector.broadcast %convert_element_type3A_240 : i32 to vector<16xi32>
        %mul3A_242 = arith.muli %get3A_236, %mul3A_241 : vector<16xi32>
        %add3A_243 = arith.addi %add3A_230, %mul3A_242 : vector<16xi32>
        %mul3A_244 = arith.constant 16 : i32
        %mul3A_245 = arith.muli %scan3A_122, %mul3A_244 : i32
        %get3A_246 = arith.constant 9 : i32
        %get3A_247 = arith.index_cast %get3A_246 : i32 to index
        %get3A_248 = arith.index_cast %mul3A_245 : i32 to index
        %get3A_249 = tpu.vector_load %arg13[%get3A_247, %get3A_248] {strides = array<i32>} : memref<16x256xi32, #tpu.memory_space<vmem>>, vector<16xi32>,
        %add3A_250 = arith.addi %add3A_237, %get3A_249 : vector<16xi32>
        %lt3A_251 = arith.constant 9 : i32
        %lt3A_252 = arith.cmpi slt, %lt3A_251, %arg1 : i32
        %convert_element_type3A_253 = arith.extui %lt3A_252 : i1 to i32
        %mul3A_254 = vector.broadcast %convert_element_type3A_253 : i32 to vector<16xi32>
        %mul3A_255 = arith.muli %get3A_249, %mul3A_254 : vector<16xi32>
        %add3A_256 = arith.addi %add3A_243, %mul3A_255 : vector<16xi32>
        %mul3A_257 = arith.constant 16 : i32
        %mul3A_258 = arith.muli %scan3A_122, %mul3A_257 : i32
        %get3A_259 = arith.constant 10 : i32
        %get3A_260 = arith.index_cast %get3A_259 : i32 to index
        %get3A_261 = arith.index_cast %mul3A_258 : i32 to index
        %get3A_262 = tpu.vector_load %arg13[%get3A_260, %get3A_261] {strides = array<i32>} : memref<16x256xi32, #tpu.memory_space<vmem>>, vector<16xi32>,
        %add3A_263 = arith.addi %add3A_250, %get3A_262 : vector<16xi32>
        %lt3A_264 = arith.constant 10 : i32
        %lt3A_265 = arith.cmpi slt, %lt3A_264, %arg1 : i32
        %convert_element_type3A_266 = arith.extui %lt3A_265 : i1 to i32
        %mul3A_267 = vector.broadcast %convert_element_type3A_266 : i32 to vector<16xi32>
        %mul3A_268 = arith.muli %get3A_262, %mul3A_267 : vector<16xi32>
        %add3A_269 = arith.addi %add3A_256, %mul3A_268 : vector<16xi32>
        %mul3A_270 = arith.constant 16 : i32
        %mul3A_271 = arith.muli %scan3A_122, %mul3A_270 : i32
        %get3A_272 = arith.constant 11 : i32
        %get3A_273 = arith.index_cast %get3A_272 : i32 to index
        %get3A_274 = arith.index_cast %mul3A_271 : i32 to index
        %get3A_275 = tpu.vector_load %arg13[%get3A_273, %get3A_274] {strides = array<i32>} : memref<16x256xi32, #tpu.memory_space<vmem>>, vector<16xi32>,
        %add3A_276 = arith.addi %add3A_263, %get3A_275 : vector<16xi32>
        %lt3A_277 = arith.constant 11 : i32
        %lt3A_278 = arith.cmpi slt, %lt3A_277, %arg1 : i32
        %convert_element_type3A_279 = arith.extui %lt3A_278 : i1 to i32
        %mul3A_280 = vector.broadcast %convert_element_type3A_279 : i32 to vector<16xi32>
        %mul3A_281 = arith.muli %get3A_275, %mul3A_280 : vector<16xi32>
        %add3A_282 = arith.addi %add3A_269, %mul3A_281 : vector<16xi32>
        %mul3A_283 = arith.constant 16 : i32
        %mul3A_284 = arith.muli %scan3A_122, %mul3A_283 : i32
        %get3A_285 = arith.constant 12 : i32
        %get3A_286 = arith.index_cast %get3A_285 : i32 to index
        %get3A_287 = arith.index_cast %mul3A_284 : i32 to index
        %get3A_288 = tpu.vector_load %arg13[%get3A_286, %get3A_287] {strides = array<i32>} : memref<16x256xi32, #tpu.memory_space<vmem>>, vector<16xi32>,
        %add3A_289 = arith.addi %add3A_276, %get3A_288 : vector<16xi32>
        %lt3A_290 = arith.constant 12 : i32
        %lt3A_291 = arith.cmpi slt, %lt3A_290, %arg1 : i32
        %convert_element_type3A_292 = arith.extui %lt3A_291 : i1 to i32
        %mul3A_293 = vector.broadcast %convert_element_type3A_292 : i32 to vector<16xi32>
        %mul3A_294 = arith.muli %get3A_288, %mul3A_293 : vector<16xi32>
        %add3A_295 = arith.addi %add3A_282, %mul3A_294 : vector<16xi32>
        %mul3A_296 = arith.constant 16 : i32
        %mul3A_297 = arith.muli %scan3A_122, %mul3A_296 : i32
        %get3A_298 = arith.constant 13 : i32
        %get3A_299 = arith.index_cast %get3A_298 : i32 to index
        %get3A_300 = arith.index_cast %mul3A_297 : i32 to index
        %get3A_301 = tpu.vector_load %arg13[%get3A_299, %get3A_300] {strides = array<i32>} : memref<16x256xi32, #tpu.memory_space<vmem>>, vector<16xi32>,
        %add3A_302 = arith.addi %add3A_289, %get3A_301 : vector<16xi32>
        %lt3A_303 = arith.constant 13 : i32
        %lt3A_304 = arith.cmpi slt, %lt3A_303, %arg1 : i32
        %convert_element_type3A_305 = arith.extui %lt3A_304 : i1 to i32
        %mul3A_306 = vector.broadcast %convert_element_type3A_305 : i32 to vector<16xi32>
        %mul3A_307 = arith.muli %get3A_301, %mul3A_306 : vector<16xi32>
        %add3A_308 = arith.addi %add3A_295, %mul3A_307 : vector<16xi32>
        %mul3A_309 = arith.constant 16 : i32
        %mul3A_310 = arith.muli %scan3A_122, %mul3A_309 : i32
        %get3A_311 = arith.constant 14 : i32
        %get3A_312 = arith.index_cast %get3A_311 : i32 to index
        %get3A_313 = arith.index_cast %mul3A_310 : i32 to index
        %get3A_314 = tpu.vector_load %arg13[%get3A_312, %get3A_313] {strides = array<i32>} : memref<16x256xi32, #tpu.memory_space<vmem>>, vector<16xi32>,
        %add3A_315 = arith.addi %add3A_302, %get3A_314 : vector<16xi32>
        %lt3A_316 = arith.constant 14 : i32
        %lt3A_317 = arith.cmpi slt, %lt3A_316, %arg1 : i32
        %convert_element_type3A_318 = arith.extui %lt3A_317 : i1 to i32
        %mul3A_319 = vector.broadcast %convert_element_type3A_318 : i32 to vector<16xi32>
        %mul3A_320 = arith.muli %get3A_314, %mul3A_319 : vector<16xi32>
        %add3A_321 = arith.addi %add3A_308, %mul3A_320 : vector<16xi32>
        %mul3A_322 = arith.constant 16 : i32
        %mul3A_323 = arith.muli %scan3A_122, %mul3A_322 : i32
        %get3A_324 = arith.constant 15 : i32
        %get3A_325 = arith.index_cast %get3A_324 : i32 to index
        %get3A_326 = arith.index_cast %mul3A_323 : i32 to index
        %get3A_327 = tpu.vector_load %arg13[%get3A_325, %get3A_326] {strides = array<i32>} : memref<16x256xi32, #tpu.memory_space<vmem>>, vector<16xi32>,
        %add3A_328 = arith.addi %add3A_315, %get3A_327 : vector<16xi32>
        %lt3A_329 = arith.constant 15 : i32
        %lt3A_330 = arith.cmpi slt, %lt3A_329, %arg1 : i32
        %convert_element_type3A_331 = arith.extui %lt3A_330 : i1 to i32
        %mul3A_332 = vector.broadcast %convert_element_type3A_331 : i32 to vector<16xi32>
        %mul3A_333 = arith.muli %get3A_327, %mul3A_332 : vector<16xi32>
        %add3A_334 = arith.addi %add3A_321, %mul3A_333 : vector<16xi32>
        %broadcast_in_dim3A_335 = arith.constant true
        %broadcast_in_dim3A_336 = vector.broadcast %broadcast_in_dim3A_335 : i1 to vector<16xi1>
        %masked_cumsum3A = tpu.scan <sum>, %add3A_328 masked %broadcast_in_dim3A_336 : vector<16xi32>, vector<16xi1> -> vector<16xi32>
        %sub3A_337 = arith.subi %masked_cumsum3A, %add3A_328 : vector<16xi32>
        %add3A_338 = vector.broadcast %scan3A_123 : i32 to vector<16xi32>
        %add3A_339 = arith.addi %sub3A_337, %add3A_338 : vector<16xi32>
        %add3A_340 = arith.addi %add3A_339, %add3A_334 : vector<16xi32>
        %mul3A_341 = arith.constant 16 : i32
        %mul3A_342 = arith.muli %scan3A_122, %mul3A_341 : i32
        %swap3A_343 = arith.index_cast %mul3A_342 : i32 to index
        %swap3A_344 = tpu.vector_load %arg11[%swap3A_343] {strides = array<i32>} : memref<256xi32, #tpu.memory_space<vmem>>, vector<16xi32>,
        tpu.vector_store %arg11[%swap3A_343], %add3A_340 {strides = array<i32>} : memref<256xi32, #tpu.memory_space<vmem>>, vector<16xi32>,
        %reduce_sum3A = arith.constant true
        %reduce_sum3A_345 = vector.broadcast %reduce_sum3A : i1 to vector<16xi1>
        %reduce_sum3A_346 = tpu.scan <sum>, %add3A_328 masked %reduce_sum3A_345 : vector<16xi32>, vector<16xi1> -> vector<16xi32>
        %reduce_sum3A_347 = vector.extract %reduce_sum3A_346[15] : i32 from vector<16xi32>
        %add3A_348 = arith.addi %scan3A_123, %reduce_sum3A_347 : i32
        scf.yield %add3A_348 : i32
      }
      %scan3A_68 = arith.constant 16 : i32
      %broadcast_in_dim3A_69 = arith.constant 0 : i32
      %broadcast_in_dim3A_70 = vector.broadcast %broadcast_in_dim3A_69 : i32 to vector<16xi32>
      %swap3A_71 = arith.constant 0 : index
      %swap3A_72 = tpu.vector_load %arg12[%swap3A_71] {strides = array<i32>} : memref<256xi32, #tpu.memory_space<vmem>>, vector<16xi32>,
      tpu.vector_store %arg12[%swap3A_71], %broadcast_in_dim3A_70 {strides = array<i32>} : memref<256xi32, #tpu.memory_space<vmem>>, vector<16xi32>,
      %swap3A_73 = arith.constant 16 : index
      %swap3A_74 = tpu.vector_load %arg12[%swap3A_73] {strides = array<i32>} : memref<256xi32, #tpu.memory_space<vmem>>, vector<16xi32>,
      tpu.vector_store %arg12[%swap3A_73], %broadcast_in_dim3A_70 {strides = array<i32>} : memref<256xi32, #tpu.memory_space<vmem>>, vector<16xi32>,
      %swap3A_75 = arith.constant 32 : index
      %swap3A_76 = tpu.vector_load %arg12[%swap3A_75] {strides = array<i32>} : memref<256xi32, #tpu.memory_space<vmem>>, vector<16xi32>,
      tpu.vector_store %arg12[%swap3A_75], %broadcast_in_dim3A_70 {strides = array<i32>} : memref<256xi32, #tpu.memory_space<vmem>>, vector<16xi32>,
      %swap3A_77 = arith.constant 48 : index
      %swap3A_78 = tpu.vector_load %arg12[%swap3A_77] {strides = array<i32>} : memref<256xi32, #tpu.memory_space<vmem>>, vector<16xi32>,
      tpu.vector_store %arg12[%swap3A_77], %broadcast_in_dim3A_70 {strides = array<i32>} : memref<256xi32, #tpu.memory_space<vmem>>, vector<16xi32>,
      %swap3A_79 = arith.constant 64 : index
      %swap3A_80 = tpu.vector_load %arg12[%swap3A_79] {strides = array<i32>} : memref<256xi32, #tpu.memory_space<vmem>>, vector<16xi32>,
      tpu.vector_store %arg12[%swap3A_79], %broadcast_in_dim3A_70 {strides = array<i32>} : memref<256xi32, #tpu.memory_space<vmem>>, vector<16xi32>,
      %swap3A_81 = arith.constant 80 : index
      %swap3A_82 = tpu.vector_load %arg12[%swap3A_81] {strides = array<i32>} : memref<256xi32, #tpu.memory_space<vmem>>, vector<16xi32>,
      tpu.vector_store %arg12[%swap3A_81], %broadcast_in_dim3A_70 {strides = array<i32>} : memref<256xi32, #tpu.memory_space<vmem>>, vector<16xi32>,
      %swap3A_83 = arith.constant 96 : index
      %swap3A_84 = tpu.vector_load %arg12[%swap3A_83] {strides = array<i32>} : memref<256xi32, #tpu.memory_space<vmem>>, vector<16xi32>,
      tpu.vector_store %arg12[%swap3A_83], %broadcast_in_dim3A_70 {strides = array<i32>} : memref<256xi32, #tpu.memory_space<vmem>>, vector<16xi32>,
      %swap3A_85 = arith.constant 112 : index
      %swap3A_86 = tpu.vector_load %arg12[%swap3A_85] {strides = array<i32>} : memref<256xi32, #tpu.memory_space<vmem>>, vector<16xi32>,
      tpu.vector_store %arg12[%swap3A_85], %broadcast_in_dim3A_70 {strides = array<i32>} : memref<256xi32, #tpu.memory_space<vmem>>, vector<16xi32>,
      %swap3A_87 = arith.constant 128 : index
      %swap3A_88 = tpu.vector_load %arg12[%swap3A_87] {strides = array<i32>} : memref<256xi32, #tpu.memory_space<vmem>>, vector<16xi32>,
      tpu.vector_store %arg12[%swap3A_87], %broadcast_in_dim3A_70 {strides = array<i32>} : memref<256xi32, #tpu.memory_space<vmem>>, vector<16xi32>,
      %swap3A_89 = arith.constant 144 : index
      %swap3A_90 = tpu.vector_load %arg12[%swap3A_89] {strides = array<i32>} : memref<256xi32, #tpu.memory_space<vmem>>, vector<16xi32>,
      tpu.vector_store %arg12[%swap3A_89], %broadcast_in_dim3A_70 {strides = array<i32>} : memref<256xi32, #tpu.memory_space<vmem>>, vector<16xi32>,
      %swap3A_91 = arith.constant 160 : index
      %swap3A_92 = tpu.vector_load %arg12[%swap3A_91] {strides = array<i32>} : memref<256xi32, #tpu.memory_space<vmem>>, vector<16xi32>,
      tpu.vector_store %arg12[%swap3A_91], %broadcast_in_dim3A_70 {strides = array<i32>} : memref<256xi32, #tpu.memory_space<vmem>>, vector<16xi32>,
      %swap3A_93 = arith.constant 176 : index
      %swap3A_94 = tpu.vector_load %arg12[%swap3A_93] {strides = array<i32>} : memref<256xi32, #tpu.memory_space<vmem>>, vector<16xi32>,
      tpu.vector_store %arg12[%swap3A_93], %broadcast_in_dim3A_70 {strides = array<i32>} : memref<256xi32, #tpu.memory_space<vmem>>, vector<16xi32>,
      %swap3A_95 = arith.constant 192 : index
      %swap3A_96 = tpu.vector_load %arg12[%swap3A_95] {strides = array<i32>} : memref<256xi32, #tpu.memory_space<vmem>>, vector<16xi32>,
      tpu.vector_store %arg12[%swap3A_95], %broadcast_in_dim3A_70 {strides = array<i32>} : memref<256xi32, #tpu.memory_space<vmem>>, vector<16xi32>,
      %swap3A_97 = arith.constant 208 : index
      %swap3A_98 = tpu.vector_load %arg12[%swap3A_97] {strides = array<i32>} : memref<256xi32, #tpu.memory_space<vmem>>, vector<16xi32>,
      tpu.vector_store %arg12[%swap3A_97], %broadcast_in_dim3A_70 {strides = array<i32>} : memref<256xi32, #tpu.memory_space<vmem>>, vector<16xi32>,
      %swap3A_99 = arith.constant 224 : index
      %swap3A_100 = tpu.vector_load %arg12[%swap3A_99] {strides = array<i32>} : memref<256xi32, #tpu.memory_space<vmem>>, vector<16xi32>,
      tpu.vector_store %arg12[%swap3A_99], %broadcast_in_dim3A_70 {strides = array<i32>} : memref<256xi32, #tpu.memory_space<vmem>>, vector<16xi32>,
      %swap3A_101 = arith.constant 240 : index
      %swap3A_102 = tpu.vector_load %arg12[%swap3A_101] {strides = array<i32>} : memref<256xi32, #tpu.memory_space<vmem>>, vector<16xi32>,
      tpu.vector_store %arg12[%swap3A_101], %broadcast_in_dim3A_70 {strides = array<i32>} : memref<256xi32, #tpu.memory_space<vmem>>, vector<16xi32>,
      %scan3A_103 = arith.constant 0 : i32
      %scan3A_104 = arith.constant 0 : i32
      %scan3A_105 = arith.constant 32 : i32
      %scan3A_106 = arith.addi %scan3A_104, %scan3A_105 : i32
      %scan3A_107 = arith.constant 1 : i32
      %scan3A_108 = scf.for %scan3A_122 = %scan3A_104 to %scan3A_106 step %scan3A_107 iter_args(%scan3A_123 = %scan3A_103) -> (i32)  : i32 {
        %mul3A_124 = arith.constant 4 : i32
        %mul3A_125 = arith.muli %mul3A_124, %scan3A_122 : i32
        %mul3A_126 = arith.constant 4 : i32
        %mul3A_127 = arith.muli %mul3A_126, %scan3A_122 : i32
        %add3A_128 = arith.constant 1 : i32
        %add3A_129 = arith.addi %mul3A_127, %add3A_128 : i32
        %mul3A_130 = arith.constant 4 : i32
        %mul3A_131 = arith.muli %mul3A_130, %scan3A_122 : i32
        %add3A_132 = arith.constant 2 : i32
        %add3A_133 = arith.addi %mul3A_131, %add3A_132 : i32
        %mul3A_134 = arith.constant 4 : i32
        %mul3A_135 = arith.muli %mul3A_134, %scan3A_122 : i32
        %add3A_136 = arith.constant 3 : i32
        %add3A_137 = arith.addi %mul3A_135, %add3A_136 : i32
        %mul3A_138 = arith.constant 16 : i32
        %mul3A_139 = arith.muli %mul3A_125, %mul3A_138 : i32
        %get3A = arith.index_cast %mul3A_139 : i32 to index
        %get3A_140 = tpu.vector_load %arg6[%get3A] {strides = array<i32>} : memref<2048xi32, #tpu.memory_space<vmem>>, vector<16xi32>,
        %mul3A_141 = arith.constant 8 : i32
        %mul3A_142 = arith.muli %mul3A_141, %scan3A_9 : i32
        %shift_right_logical3A = vector.broadcast %mul3A_142 : i32 to vector<16xi32>
        %shift_right_logical3A_143 = arith.shrui %get3A_140, %shift_right_logical3A : vector<16xi32>
        %and3A_144 = arith.constant 255 : i32
        %and3A_145 = vector.broadcast %and3A_144 : i32 to vector<16xi32>
        %and3A_146 = arith.andi %shift_right_logical3A_143, %and3A_145 : vector<16xi32>
        %mul3A_147 = arith.constant 16 : i32
        %mul3A_148 = arith.muli %mul3A_125, %mul3A_147 : i32
        %get3A_149 = arith.index_cast %mul3A_148 : i32 to index
        %get3A_150 = tpu.vector_load %arg9[%get3A_149] {strides = array<i32>} : memref<2048xi32, #tpu.memory_space<vmem>>, vector<16xi32>,
        %mul3A_151 = arith.constant 16 : i32
        %mul3A_152 = arith.muli %mul3A_125, %mul3A_151 : i32
        %get3A_153 = arith.index_cast %mul3A_152 : i32 to index
        %get3A_154 = tpu.vector_load %arg10[%get3A_153] {strides = array<i32>} : memref<2048xi32, #tpu.memory_space<vmem>>, vector<16xi32>,
        %eq3A_155 = arith.constant 1 : i32
        %eq3A_156 = vector.broadcast %eq3A_155 : i32 to vector<16xi32>
        %eq3A_157 = arith.cmpi eq, %get3A_154, %eq3A_156 : vector<16xi32>
        %gather3A = tpu.vector_load_idx %arg12[%and3A_146] : memref<256xi32, #tpu.memory_space<vmem>>[vector<16xi32>], vector<16xi32>,
        %gather3A_158 = tpu.vector_load_idx %arg11[%and3A_146] : memref<256xi32, #tpu.memory_space<vmem>>[vector<16xi32>], vector<16xi32>,
        %add3A_159 = arith.addi %gather3A_158, %gather3A : vector<16xi32>
        %add3A_160 = arith.addi %add3A_159, %get3A_150 : vector<16xi32>
        %sub3A_161 = arith.constant 1 : i32
        %sub3A_162 = vector.broadcast %sub3A_161 : i32 to vector<16xi32>
        %sub3A_163 = arith.subi %add3A_160, %sub3A_162 : vector<16xi32>
        %mul3A_164 = arith.constant 16 : i32
        %mul3A_165 = arith.muli %mul3A_125, %mul3A_164 : i32
        %swap3A_166 = arith.index_cast %mul3A_165 : i32 to index
        %swap3A_167 = tpu.vector_load %arg8[%swap3A_166] {strides = array<i32>} : memref<2048xi32, #tpu.memory_space<vmem>>, vector<16xi32>,
        tpu.vector_store %arg8[%swap3A_166], %sub3A_163 {strides = array<i32>} : memref<2048xi32, #tpu.memory_space<vmem>>, vector<16xi32>,
        tpu.vector_store_idx %arg12[%and3A_146], %get3A_150 masked %eq3A_157 {add = true} : memref<256xi32, #tpu.memory_space<vmem>>[vector<16xi32>], vector<16xi32>, vector<16xi1>
        %mul3A_168 = arith.constant 16 : i32
        %mul3A_169 = arith.muli %add3A_129, %mul3A_168 : i32
        %get3A_170 = arith.index_cast %mul3A_169 : i32 to index
        %get3A_171 = tpu.vector_load %arg6[%get3A_170] {strides = array<i32>} : memref<2048xi32, #tpu.memory_space<vmem>>, vector<16xi32>,
        %mul3A_172 = arith.constant 8 : i32
        %mul3A_173 = arith.muli %mul3A_172, %scan3A_9 : i32
        %shift_right_logical3A_174 = vector.broadcast %mul3A_173 : i32 to vector<16xi32>
        %shift_right_logical3A_175 = arith.shrui %get3A_171, %shift_right_logical3A_174 : vector<16xi32>
        %and3A_176 = arith.constant 255 : i32
        %and3A_177 = vector.broadcast %and3A_176 : i32 to vector<16xi32>
        %and3A_178 = arith.andi %shift_right_logical3A_175, %and3A_177 : vector<16xi32>
        %mul3A_179 = arith.constant 16 : i32
        %mul3A_180 = arith.muli %add3A_129, %mul3A_179 : i32
        %get3A_181 = arith.index_cast %mul3A_180 : i32 to index
        %get3A_182 = tpu.vector_load %arg9[%get3A_181] {strides = array<i32>} : memref<2048xi32, #tpu.memory_space<vmem>>, vector<16xi32>,
        %mul3A_183 = arith.constant 16 : i32
        %mul3A_184 = arith.muli %add3A_129, %mul3A_183 : i32
        %get3A_185 = arith.index_cast %mul3A_184 : i32 to index
        %get3A_186 = tpu.vector_load %arg10[%get3A_185] {strides = array<i32>} : memref<2048xi32, #tpu.memory_space<vmem>>, vector<16xi32>,
        %eq3A_187 = arith.constant 1 : i32
        %eq3A_188 = vector.broadcast %eq3A_187 : i32 to vector<16xi32>
        %eq3A_189 = arith.cmpi eq, %get3A_186, %eq3A_188 : vector<16xi32>
        %gather3A_190 = tpu.vector_load_idx %arg12[%and3A_178] : memref<256xi32, #tpu.memory_space<vmem>>[vector<16xi32>], vector<16xi32>,
        %gather3A_191 = tpu.vector_load_idx %arg11[%and3A_178] : memref<256xi32, #tpu.memory_space<vmem>>[vector<16xi32>], vector<16xi32>,
        %add3A_192 = arith.addi %gather3A_191, %gather3A_190 : vector<16xi32>
        %add3A_193 = arith.addi %add3A_192, %get3A_182 : vector<16xi32>
        %sub3A_194 = arith.constant 1 : i32
        %sub3A_195 = vector.broadcast %sub3A_194 : i32 to vector<16xi32>
        %sub3A_196 = arith.subi %add3A_193, %sub3A_195 : vector<16xi32>
        %mul3A_197 = arith.constant 16 : i32
        %mul3A_198 = arith.muli %add3A_129, %mul3A_197 : i32
        %swap3A_199 = arith.index_cast %mul3A_198 : i32 to index
        %swap3A_200 = tpu.vector_load %arg8[%swap3A_199] {strides = array<i32>} : memref<2048xi32, #tpu.memory_space<vmem>>, vector<16xi32>,
        tpu.vector_store %arg8[%swap3A_199], %sub3A_196 {strides = array<i32>} : memref<2048xi32, #tpu.memory_space<vmem>>, vector<16xi32>,
        tpu.vector_store_idx %arg12[%and3A_178], %get3A_182 masked %eq3A_189 {add = true} : memref<256xi32, #tpu.memory_space<vmem>>[vector<16xi32>], vector<16xi32>, vector<16xi1>
        %mul3A_201 = arith.constant 16 : i32
        %mul3A_202 = arith.muli %add3A_133, %mul3A_201 : i32
        %get3A_203 = arith.index_cast %mul3A_202 : i32 to index
        %get3A_204 = tpu.vector_load %arg6[%get3A_203] {strides = array<i32>} : memref<2048xi32, #tpu.memory_space<vmem>>, vector<16xi32>,
        %mul3A_205 = arith.constant 8 : i32
        %mul3A_206 = arith.muli %mul3A_205, %scan3A_9 : i32
        %shift_right_logical3A_207 = vector.broadcast %mul3A_206 : i32 to vector<16xi32>
        %shift_right_logical3A_208 = arith.shrui %get3A_204, %shift_right_logical3A_207 : vector<16xi32>
        %and3A_209 = arith.constant 255 : i32
        %and3A_210 = vector.broadcast %and3A_209 : i32 to vector<16xi32>
        %and3A_211 = arith.andi %shift_right_logical3A_208, %and3A_210 : vector<16xi32>
        %mul3A_212 = arith.constant 16 : i32
        %mul3A_213 = arith.muli %add3A_133, %mul3A_212 : i32
        %get3A_214 = arith.index_cast %mul3A_213 : i32 to index
        %get3A_215 = tpu.vector_load %arg9[%get3A_214] {strides = array<i32>} : memref<2048xi32, #tpu.memory_space<vmem>>, vector<16xi32>,
        %mul3A_216 = arith.constant 16 : i32
        %mul3A_217 = arith.muli %add3A_133, %mul3A_216 : i32
        %get3A_218 = arith.index_cast %mul3A_217 : i32 to index
        %get3A_219 = tpu.vector_load %arg10[%get3A_218] {strides = array<i32>} : memref<2048xi32, #tpu.memory_space<vmem>>, vector<16xi32>,
        %eq3A_220 = arith.constant 1 : i32
        %eq3A_221 = vector.broadcast %eq3A_220 : i32 to vector<16xi32>
        %eq3A_222 = arith.cmpi eq, %get3A_219, %eq3A_221 : vector<16xi32>
        %gather3A_223 = tpu.vector_load_idx %arg12[%and3A_211] : memref<256xi32, #tpu.memory_space<vmem>>[vector<16xi32>], vector<16xi32>,
        %gather3A_224 = tpu.vector_load_idx %arg11[%and3A_211] : memref<256xi32, #tpu.memory_space<vmem>>[vector<16xi32>], vector<16xi32>,
        %add3A_225 = arith.addi %gather3A_224, %gather3A_223 : vector<16xi32>
        %add3A_226 = arith.addi %add3A_225, %get3A_215 : vector<16xi32>
        %sub3A_227 = arith.constant 1 : i32
        %sub3A_228 = vector.broadcast %sub3A_227 : i32 to vector<16xi32>
        %sub3A_229 = arith.subi %add3A_226, %sub3A_228 : vector<16xi32>
        %mul3A_230 = arith.constant 16 : i32
        %mul3A_231 = arith.muli %add3A_133, %mul3A_230 : i32
        %swap3A_232 = arith.index_cast %mul3A_231 : i32 to index
        %swap3A_233 = tpu.vector_load %arg8[%swap3A_232] {strides = array<i32>} : memref<2048xi32, #tpu.memory_space<vmem>>, vector<16xi32>,
        tpu.vector_store %arg8[%swap3A_232], %sub3A_229 {strides = array<i32>} : memref<2048xi32, #tpu.memory_space<vmem>>, vector<16xi32>,
        tpu.vector_store_idx %arg12[%and3A_211], %get3A_215 masked %eq3A_222 {add = true} : memref<256xi32, #tpu.memory_space<vmem>>[vector<16xi32>], vector<16xi32>, vector<16xi1>
        %mul3A_234 = arith.constant 16 : i32
        %mul3A_235 = arith.muli %add3A_137, %mul3A_234 : i32
        %get3A_236 = arith.index_cast %mul3A_235 : i32 to index
        %get3A_237 = tpu.vector_load %arg6[%get3A_236] {strides = array<i32>} : memref<2048xi32, #tpu.memory_space<vmem>>, vector<16xi32>,
        %mul3A_238 = arith.constant 8 : i32
        %mul3A_239 = arith.muli %mul3A_238, %scan3A_9 : i32
        %shift_right_logical3A_240 = vector.broadcast %mul3A_239 : i32 to vector<16xi32>
        %shift_right_logical3A_241 = arith.shrui %get3A_237, %shift_right_logical3A_240 : vector<16xi32>
        %and3A_242 = arith.constant 255 : i32
        %and3A_243 = vector.broadcast %and3A_242 : i32 to vector<16xi32>
        %and3A_244 = arith.andi %shift_right_logical3A_241, %and3A_243 : vector<16xi32>
        %mul3A_245 = arith.constant 16 : i32
        %mul3A_246 = arith.muli %add3A_137, %mul3A_245 : i32
        %get3A_247 = arith.index_cast %mul3A_246 : i32 to index
        %get3A_248 = tpu.vector_load %arg9[%get3A_247] {strides = array<i32>} : memref<2048xi32, #tpu.memory_space<vmem>>, vector<16xi32>,
        %mul3A_249 = arith.constant 16 : i32
        %mul3A_250 = arith.muli %add3A_137, %mul3A_249 : i32
        %get3A_251 = arith.index_cast %mul3A_250 : i32 to index
        %get3A_252 = tpu.vector_load %arg10[%get3A_251] {strides = array<i32>} : memref<2048xi32, #tpu.memory_space<vmem>>, vector<16xi32>,
        %eq3A_253 = arith.constant 1 : i32
        %eq3A_254 = vector.broadcast %eq3A_253 : i32 to vector<16xi32>
        %eq3A_255 = arith.cmpi eq, %get3A_252, %eq3A_254 : vector<16xi32>
        %gather3A_256 = tpu.vector_load_idx %arg12[%and3A_244] : memref<256xi32, #tpu.memory_space<vmem>>[vector<16xi32>], vector<16xi32>,
        %gather3A_257 = tpu.vector_load_idx %arg11[%and3A_244] : memref<256xi32, #tpu.memory_space<vmem>>[vector<16xi32>], vector<16xi32>,
        %add3A_258 = arith.addi %gather3A_257, %gather3A_256 : vector<16xi32>
        %add3A_259 = arith.addi %add3A_258, %get3A_248 : vector<16xi32>
        %sub3A_260 = arith.constant 1 : i32
        %sub3A_261 = vector.broadcast %sub3A_260 : i32 to vector<16xi32>
        %sub3A_262 = arith.subi %add3A_259, %sub3A_261 : vector<16xi32>
        %mul3A_263 = arith.constant 16 : i32
        %mul3A_264 = arith.muli %add3A_137, %mul3A_263 : i32
        %swap3A_265 = arith.index_cast %mul3A_264 : i32 to index
        %swap3A_266 = tpu.vector_load %arg8[%swap3A_265] {strides = array<i32>} : memref<2048xi32, #tpu.memory_space<vmem>>, vector<16xi32>,
        tpu.vector_store %arg8[%swap3A_265], %sub3A_262 {strides = array<i32>} : memref<2048xi32, #tpu.memory_space<vmem>>, vector<16xi32>,
        tpu.vector_store_idx %arg12[%and3A_244], %get3A_248 masked %eq3A_255 {add = true} : memref<256xi32, #tpu.memory_space<vmem>>[vector<16xi32>], vector<16xi32>, vector<16xi1>
        %scan3A_267 = arith.constant 0 : i32
        scf.yield %scan3A_267 : i32
      }
      %scan3A_109 = arith.constant 32 : i32
      %eq3A_110 = arith.constant 0 : i32
      %eq3A_111 = arith.cmpi eq, %select_n3A_19, %eq3A_110 : i32
      %convert_element_type3A_112 = arith.extui %eq3A_111 : i1 to i32
      %cond3A_113 = arith.constant 0 : i32
      %cond3A_114 = arith.cmpi ne, %convert_element_type3A_112, %cond3A_113 : i32
      scf.if %cond3A_114 {
        "tpu.region"() ({
          %run_scoped3A = tpu.sem_alloc : memref<!tpu.dma_semaphore, #tpu.memory_space<semaphore_mem>>
          %dma_start3A = arith.constant 0 : i32
          %dma_start3A_122 = tpu.memref_slice %arg15[%dma_start3A] : memref<32768xi32, #tpu.memory_space<vmem_shared>> -> memref<32768xi32, #tpu.memory_space<vmem_shared>>
          tpu.enqueue_indirect_dma source(%arg6 : memref<2048xi32, #tpu.memory_space<vmem>>) target(%dma_start3A_122 : memref<32768xi32, #tpu.memory_space<vmem_shared>>) offsets(%arg8 : memref<2048xi32, #tpu.memory_space<vmem>>) semaphore(%run_scoped3A : memref<!tpu.dma_semaphore, #tpu.memory_space<semaphore_mem>>)
          %dma_wait3A = arith.constant 0 : i32
          %dma_wait3A_123 = tpu.memref_slice %arg15[%dma_wait3A] : memref<32768xi32, #tpu.memory_space<vmem_shared>> -> memref<32768xi32, #tpu.memory_space<vmem_shared>>
          tpu.wait_indirect_dma semaphore(%run_scoped3A : memref<!tpu.dma_semaphore, #tpu.memory_space<semaphore_mem>>) src(%arg6 : memref<2048xi32, #tpu.memory_space<vmem>>) dst(%dma_wait3A_123 : memref<32768xi32, #tpu.memory_space<vmem_shared>>)
          tpu.yield
        }) : () -> ()
        "tpu.region"() ({
          %run_scoped3A = tpu.sem_alloc : memref<!tpu.dma_semaphore, #tpu.memory_space<semaphore_mem>>
          %dma_start3A = arith.constant 0 : i32
          %dma_start3A_122 = tpu.memref_slice %arg16[%dma_start3A] : memref<32768xi32, #tpu.memory_space<vmem_shared>> -> memref<32768xi32, #tpu.memory_space<vmem_shared>>
          tpu.enqueue_indirect_dma source(%arg7 : memref<2048xi32, #tpu.memory_space<vmem>>) target(%dma_start3A_122 : memref<32768xi32, #tpu.memory_space<vmem_shared>>) offsets(%arg8 : memref<2048xi32, #tpu.memory_space<vmem>>) semaphore(%run_scoped3A : memref<!tpu.dma_semaphore, #tpu.memory_space<semaphore_mem>>)
          %dma_wait3A = arith.constant 0 : i32
          %dma_wait3A_123 = tpu.memref_slice %arg16[%dma_wait3A] : memref<32768xi32, #tpu.memory_space<vmem_shared>> -> memref<32768xi32, #tpu.memory_space<vmem_shared>>
          tpu.wait_indirect_dma semaphore(%run_scoped3A : memref<!tpu.dma_semaphore, #tpu.memory_space<semaphore_mem>>) src(%arg7 : memref<2048xi32, #tpu.memory_space<vmem>>) dst(%dma_wait3A_123 : memref<32768xi32, #tpu.memory_space<vmem_shared>>)
          tpu.yield
        }) : () -> ()
      } else {
      }
      %eq3A_115 = arith.constant 1 : i32
      %eq3A_116 = arith.cmpi eq, %select_n3A_19, %eq3A_115 : i32
      %convert_element_type3A_117 = arith.extui %eq3A_116 : i1 to i32
      %cond3A_118 = arith.constant 0 : i32
      %cond3A_119 = arith.cmpi ne, %convert_element_type3A_117, %cond3A_118 : i32
      scf.if %cond3A_119 {
        "tpu.region"() ({
          %run_scoped3A = tpu.sem_alloc : memref<!tpu.dma_semaphore, #tpu.memory_space<semaphore_mem>>
          %dma_start3A = arith.constant 0 : i32
          %dma_start3A_122 = tpu.memref_slice %arg17[%dma_start3A] : memref<32768xi32, #tpu.memory_space<vmem_shared>> -> memref<32768xi32, #tpu.memory_space<vmem_shared>>
          tpu.enqueue_indirect_dma source(%arg6 : memref<2048xi32, #tpu.memory_space<vmem>>) target(%dma_start3A_122 : memref<32768xi32, #tpu.memory_space<vmem_shared>>) offsets(%arg8 : memref<2048xi32, #tpu.memory_space<vmem>>) semaphore(%run_scoped3A : memref<!tpu.dma_semaphore, #tpu.memory_space<semaphore_mem>>)
          %dma_wait3A = arith.constant 0 : i32
          %dma_wait3A_123 = tpu.memref_slice %arg17[%dma_wait3A] : memref<32768xi32, #tpu.memory_space<vmem_shared>> -> memref<32768xi32, #tpu.memory_space<vmem_shared>>
          tpu.wait_indirect_dma semaphore(%run_scoped3A : memref<!tpu.dma_semaphore, #tpu.memory_space<semaphore_mem>>) src(%arg6 : memref<2048xi32, #tpu.memory_space<vmem>>) dst(%dma_wait3A_123 : memref<32768xi32, #tpu.memory_space<vmem_shared>>)
          tpu.yield
        }) : () -> ()
        "tpu.region"() ({
          %run_scoped3A = tpu.sem_alloc : memref<!tpu.dma_semaphore, #tpu.memory_space<semaphore_mem>>
          %dma_start3A = arith.constant 0 : i32
          %dma_start3A_122 = tpu.memref_slice %arg18[%dma_start3A] : memref<32768xi32, #tpu.memory_space<vmem_shared>> -> memref<32768xi32, #tpu.memory_space<vmem_shared>>
          tpu.enqueue_indirect_dma source(%arg7 : memref<2048xi32, #tpu.memory_space<vmem>>) target(%dma_start3A_122 : memref<32768xi32, #tpu.memory_space<vmem_shared>>) offsets(%arg8 : memref<2048xi32, #tpu.memory_space<vmem>>) semaphore(%run_scoped3A : memref<!tpu.dma_semaphore, #tpu.memory_space<semaphore_mem>>)
          %dma_wait3A = arith.constant 0 : i32
          %dma_wait3A_123 = tpu.memref_slice %arg18[%dma_wait3A] : memref<32768xi32, #tpu.memory_space<vmem_shared>> -> memref<32768xi32, #tpu.memory_space<vmem_shared>>
          tpu.wait_indirect_dma semaphore(%run_scoped3A : memref<!tpu.dma_semaphore, #tpu.memory_space<semaphore_mem>>) src(%arg7 : memref<2048xi32, #tpu.memory_space<vmem>>) dst(%dma_wait3A_123 : memref<32768xi32, #tpu.memory_space<vmem_shared>>)
          tpu.yield
        }) : () -> ()
      } else {
      }
      %barrier3A_120 = arith.constant 0 : index
      tpu.barrier barrier_id(%barrier3A_120)
      %scan3A_121 = arith.constant 0 : i32
      scf.yield %scan3A_121 : i32
    }
    %scan3A_6 = arith.constant 4 : i32
    %lt3A = arith.constant 4 : i32
    %lt3A_7 = arith.cmpi slt, %arg1, %lt3A : i32
    %convert_element_type3A = arith.extui %lt3A_7 : i1 to i32
    %cond3A = arith.constant 0 : i32
    %cond3A_8 = arith.cmpi ne, %convert_element_type3A, %cond3A : i32
    scf.if %cond3A_8 {
      "tpu.region"() ({
        %run_scoped3A = tpu.sem_alloc : memref<!tpu.dma_semaphore, #tpu.memory_space<semaphore_mem>>
        %dma_start3A = tpu.memref_slice %arg18[%mul3A_0] : memref<32768xi32, #tpu.memory_space<vmem_shared>> -> memref<2048xi32, #tpu.memory_space<vmem_shared>>
        %dma_start3A_18 = tpu.memref_slice %arg18[%mul3A_0] : memref<32768xi32, #tpu.memory_space<vmem_shared>> -> memref<2048xi32, #tpu.memory_space<vmem_shared>>
        tpu.enqueue_dma source(%dma_start3A_18 : memref<2048xi32, #tpu.memory_space<vmem_shared>>) target(%arg7 : memref<2048xi32, #tpu.memory_space<vmem>>) target_semaphore(%run_scoped3A : memref<!tpu.dma_semaphore, #tpu.memory_space<semaphore_mem>>)
        %dma_wait3A = tpu.memref_slice %arg18[%mul3A_0] : memref<32768xi32, #tpu.memory_space<vmem_shared>> -> memref<2048xi32, #tpu.memory_space<vmem_shared>>
        %dma_wait3A_19 = tpu.memref_slice %arg18[%mul3A_0] : memref<32768xi32, #tpu.memory_space<vmem_shared>> -> memref<2048xi32, #tpu.memory_space<vmem_shared>>
        tpu.wait_dma2 semaphore(%run_scoped3A : memref<!tpu.dma_semaphore, #tpu.memory_space<semaphore_mem>>) src(%dma_wait3A_19 : memref<2048xi32, #tpu.memory_space<vmem_shared>>) dst(%arg7 : memref<2048xi32, #tpu.memory_space<vmem>>)
        tpu.yield
      }) : () -> ()
      "tpu.region"() ({
        %run_scoped3A = tpu.sem_alloc : memref<!tpu.dma_semaphore, #tpu.memory_space<semaphore_mem>>
        %dma_start3A = tpu.memref_slice %arg3[%mul3A_0] : memref<8192xi32, #tpu.memory_space<hbm>> -> memref<2048xi32, #tpu.memory_space<hbm>>
        %dma_start3A_18 = tpu.memref_slice %arg3[%mul3A_0] : memref<8192xi32, #tpu.memory_space<hbm>> -> memref<2048xi32, #tpu.memory_space<hbm>>
        tpu.enqueue_dma source(%arg7 : memref<2048xi32, #tpu.memory_space<vmem>>) target(%dma_start3A_18 : memref<2048xi32, #tpu.memory_space<hbm>>) target_semaphore(%run_scoped3A : memref<!tpu.dma_semaphore, #tpu.memory_space<semaphore_mem>>)
        %dma_wait3A = tpu.memref_slice %arg3[%mul3A_0] : memref<8192xi32, #tpu.memory_space<hbm>> -> memref<2048xi32, #tpu.memory_space<hbm>>
        %dma_wait3A_19 = tpu.memref_slice %arg3[%mul3A_0] : memref<8192xi32, #tpu.memory_space<hbm>> -> memref<2048xi32, #tpu.memory_space<hbm>>
        tpu.wait_dma2 semaphore(%run_scoped3A : memref<!tpu.dma_semaphore, #tpu.memory_space<semaphore_mem>>) src(%arg7 : memref<2048xi32, #tpu.memory_space<vmem>>) dst(%dma_wait3A_19 : memref<2048xi32, #tpu.memory_space<hbm>>)
        tpu.yield
      }) : () -> ()
      %scan3A_9 = arith.constant 0 : i32
      %scan3A_10 = arith.constant 0 : i32
      %scan3A_11 = arith.constant 128 : i32
      %scan3A_12 = arith.addi %scan3A_10, %scan3A_11 : i32
      %scan3A_13 = arith.constant 1 : i32
      %scan3A_14 = scf.for %scan3A_18 = %scan3A_10 to %scan3A_12 step %scan3A_13 iter_args(%scan3A_19 = %scan3A_9) -> (i32)  : i32 {
        %mul3A_20 = arith.constant 16 : i32
        %mul3A_21 = arith.muli %scan3A_18, %mul3A_20 : i32
        %get3A = arith.index_cast %mul3A_21 : i32 to index
        %get3A_22 = tpu.vector_load %arg7[%get3A] {strides = array<i32>} : memref<2048xi32, #tpu.memory_space<vmem>>, vector<16xi32>,
        %mul3A_23 = arith.constant 48 : i32
        %mul3A_24 = arith.muli %scan3A_18, %mul3A_23 : i32
        %mul3A_25 = arith.constant 3 : i32
        %mul3A_26 = vector.broadcast %mul3A_25 : i32 to vector<16xi32>
        %mul3A_27 = arith.muli %iota3A, %mul3A_26 : vector<16xi32>
        %add3A = vector.broadcast %mul3A_24 : i32 to vector<16xi32>
        %add3A_28 = arith.addi %add3A, %mul3A_27 : vector<16xi32>
        %add3A_29 = arith.constant 0 : i32
        %add3A_30 = vector.broadcast %add3A_29 : i32 to vector<16xi32>
        %add3A_31 = arith.addi %add3A_28, %add3A_30 : vector<16xi32>
        %mul3A_32 = arith.constant 3 : i32
        %mul3A_33 = vector.broadcast %mul3A_32 : i32 to vector<16xi32>
        %mul3A_34 = arith.muli %get3A_22, %mul3A_33 : vector<16xi32>
        %add3A_35 = arith.constant 0 : i32
        %add3A_36 = vector.broadcast %add3A_35 : i32 to vector<16xi32>
        %add3A_37 = arith.addi %mul3A_34, %add3A_36 : vector<16xi32>
        tpu.vector_store_idx %arg14[%add3A_31], %add3A_37 : memref<6144xi32, #tpu.memory_space<vmem>>[vector<16xi32>], vector<16xi32>,
        %mul3A_38 = arith.constant 48 : i32
        %mul3A_39 = arith.muli %scan3A_18, %mul3A_38 : i32
        %mul3A_40 = arith.constant 3 : i32
        %mul3A_41 = vector.broadcast %mul3A_40 : i32 to vector<16xi32>
        %mul3A_42 = arith.muli %iota3A, %mul3A_41 : vector<16xi32>
        %add3A_43 = vector.broadcast %mul3A_39 : i32 to vector<16xi32>
        %add3A_44 = arith.addi %add3A_43, %mul3A_42 : vector<16xi32>
        %add3A_45 = arith.constant 1 : i32
        %add3A_46 = vector.broadcast %add3A_45 : i32 to vector<16xi32>
        %add3A_47 = arith.addi %add3A_44, %add3A_46 : vector<16xi32>
        %mul3A_48 = arith.constant 3 : i32
        %mul3A_49 = vector.broadcast %mul3A_48 : i32 to vector<16xi32>
        %mul3A_50 = arith.muli %get3A_22, %mul3A_49 : vector<16xi32>
        %add3A_51 = arith.constant 1 : i32
        %add3A_52 = vector.broadcast %add3A_51 : i32 to vector<16xi32>
        %add3A_53 = arith.addi %mul3A_50, %add3A_52 : vector<16xi32>
        tpu.vector_store_idx %arg14[%add3A_47], %add3A_53 : memref<6144xi32, #tpu.memory_space<vmem>>[vector<16xi32>], vector<16xi32>,
        %mul3A_54 = arith.constant 48 : i32
        %mul3A_55 = arith.muli %scan3A_18, %mul3A_54 : i32
        %mul3A_56 = arith.constant 3 : i32
        %mul3A_57 = vector.broadcast %mul3A_56 : i32 to vector<16xi32>
        %mul3A_58 = arith.muli %iota3A, %mul3A_57 : vector<16xi32>
        %add3A_59 = vector.broadcast %mul3A_55 : i32 to vector<16xi32>
        %add3A_60 = arith.addi %add3A_59, %mul3A_58 : vector<16xi32>
        %add3A_61 = arith.constant 2 : i32
        %add3A_62 = vector.broadcast %add3A_61 : i32 to vector<16xi32>
        %add3A_63 = arith.addi %add3A_60, %add3A_62 : vector<16xi32>
        %mul3A_64 = arith.constant 3 : i32
        %mul3A_65 = vector.broadcast %mul3A_64 : i32 to vector<16xi32>
        %mul3A_66 = arith.muli %get3A_22, %mul3A_65 : vector<16xi32>
        %add3A_67 = arith.constant 2 : i32
        %add3A_68 = vector.broadcast %add3A_67 : i32 to vector<16xi32>
        %add3A_69 = arith.addi %mul3A_66, %add3A_68 : vector<16xi32>
        tpu.vector_store_idx %arg14[%add3A_63], %add3A_69 : memref<6144xi32, #tpu.memory_space<vmem>>[vector<16xi32>], vector<16xi32>,
        %scan3A_70 = arith.constant 0 : i32
        scf.yield %scan3A_70 : i32
      }
      %scan3A_15 = arith.constant 128 : i32
      %mul3A_16 = arith.constant 3 : i32
      %mul3A_17 = arith.muli %mul3A_0, %mul3A_16 : i32
      "tpu.region"() ({
        %run_scoped3A = tpu.sem_alloc : memref<!tpu.dma_semaphore, #tpu.memory_space<semaphore_mem>>
        %dma_start3A = tpu.memref_slice %arg4[%mul3A_17] : memref<24576xi32, #tpu.memory_space<hbm>> -> memref<6144xi32, #tpu.memory_space<hbm>>
        %dma_start3A_18 = tpu.memref_slice %arg4[%mul3A_17] : memref<24576xi32, #tpu.memory_space<hbm>> -> memref<6144xi32, #tpu.memory_space<hbm>>
        tpu.enqueue_dma source(%arg14 : memref<6144xi32, #tpu.memory_space<vmem>>) target(%dma_start3A_18 : memref<6144xi32, #tpu.memory_space<hbm>>) target_semaphore(%run_scoped3A : memref<!tpu.dma_semaphore, #tpu.memory_space<semaphore_mem>>)
        %dma_wait3A = tpu.memref_slice %arg4[%mul3A_17] : memref<24576xi32, #tpu.memory_space<hbm>> -> memref<6144xi32, #tpu.memory_space<hbm>>
        %dma_wait3A_19 = tpu.memref_slice %arg4[%mul3A_17] : memref<24576xi32, #tpu.memory_space<hbm>> -> memref<6144xi32, #tpu.memory_space<hbm>>
        tpu.wait_dma2 semaphore(%run_scoped3A : memref<!tpu.dma_semaphore, #tpu.memory_space<semaphore_mem>>) src(%arg14 : memref<6144xi32, #tpu.memory_space<vmem>>) dst(%dma_wait3A_19 : memref<6144xi32, #tpu.memory_space<hbm>>)
        tpu.yield
      }) : () -> ()
    } else {
    }
    return
  }
}

module attributes {stable_mosaic.version = 14 : i64} {
  func.func @_norm_body(%arg0: i32, %arg1: memref<8192x256xf32, #tpu.memory_space<vmem>>, %arg2: memref<8192xf32, #tpu.memory_space<vmem>>) attributes {dimension_semantics = [#tpu.dimension_semantics<arbitrary>], iteration_bounds = array<i64: 4>, scalar_prefetch = 0 : i64, scratch_operands = 0 : i64, tpu.core_type = #tpu.core_type<tc>, window_params = [{transform_indices = @transform_0, window_bounds = array<i64: 8192, 256>}, {transform_indices = @transform_1, window_bounds = array<i64: 8192>}]} {
    %get3A = arith.constant 0 : index
    %get3A_0 = arith.constant 0 : index
    %get3A_1 = vector.load %arg1[%get3A, %get3A_0] : memref<8192x256xf32, #tpu.memory_space<vmem>>, vector<8192x256xf32>
    %mul3A = arith.mulf %get3A_1, %get3A_1 : vector<8192x256xf32>
    %slice3A = vector.extract_strided_slice %mul3A {offsets = [0, 0], sizes = [8192, 128], strides = [1, 1]} : vector<8192x256xf32> to vector<8192x128xf32>
    %slice3A_2 = vector.extract_strided_slice %mul3A {offsets = [0, 128], sizes = [8192, 128], strides = [1, 1]} : vector<8192x256xf32> to vector<8192x128xf32>
    %add3A = arith.addf %slice3A, %slice3A_2 : vector<8192x128xf32>
    %transpose3A = tpu.transpose %add3A, [1, 0] : vector<8192x128xf32> -> vector<128x8192xf32>
    %reshape3A = vector.shape_cast %transpose3A : vector<128x8192xf32> to vector<16x8x8192xf32>
    %slice3A_3 = vector.extract_strided_slice %reshape3A {offsets = [0, 0, 0], sizes = [1, 8, 8192], strides = [1, 1, 1]} : vector<16x8x8192xf32> to vector<1x8x8192xf32>
    %squeeze3A = vector.shape_cast %slice3A_3 : vector<1x8x8192xf32> to vector<8x8192xf32>
    %slice3A_4 = vector.extract_strided_slice %reshape3A {offsets = [1, 0, 0], sizes = [1, 8, 8192], strides = [1, 1, 1]} : vector<16x8x8192xf32> to vector<1x8x8192xf32>
    %squeeze3A_5 = vector.shape_cast %slice3A_4 : vector<1x8x8192xf32> to vector<8x8192xf32>
    %add3A_6 = arith.addf %squeeze3A, %squeeze3A_5 : vector<8x8192xf32>
    %slice3A_7 = vector.extract_strided_slice %reshape3A {offsets = [2, 0, 0], sizes = [1, 8, 8192], strides = [1, 1, 1]} : vector<16x8x8192xf32> to vector<1x8x8192xf32>
    %squeeze3A_8 = vector.shape_cast %slice3A_7 : vector<1x8x8192xf32> to vector<8x8192xf32>
    %add3A_9 = arith.addf %add3A_6, %squeeze3A_8 : vector<8x8192xf32>
    %slice3A_10 = vector.extract_strided_slice %reshape3A {offsets = [3, 0, 0], sizes = [1, 8, 8192], strides = [1, 1, 1]} : vector<16x8x8192xf32> to vector<1x8x8192xf32>
    %squeeze3A_11 = vector.shape_cast %slice3A_10 : vector<1x8x8192xf32> to vector<8x8192xf32>
    %add3A_12 = arith.addf %add3A_9, %squeeze3A_11 : vector<8x8192xf32>
    %slice3A_13 = vector.extract_strided_slice %reshape3A {offsets = [4, 0, 0], sizes = [1, 8, 8192], strides = [1, 1, 1]} : vector<16x8x8192xf32> to vector<1x8x8192xf32>
    %squeeze3A_14 = vector.shape_cast %slice3A_13 : vector<1x8x8192xf32> to vector<8x8192xf32>
    %add3A_15 = arith.addf %add3A_12, %squeeze3A_14 : vector<8x8192xf32>
    %slice3A_16 = vector.extract_strided_slice %reshape3A {offsets = [5, 0, 0], sizes = [1, 8, 8192], strides = [1, 1, 1]} : vector<16x8x8192xf32> to vector<1x8x8192xf32>
    %squeeze3A_17 = vector.shape_cast %slice3A_16 : vector<1x8x8192xf32> to vector<8x8192xf32>
    %add3A_18 = arith.addf %add3A_15, %squeeze3A_17 : vector<8x8192xf32>
    %slice3A_19 = vector.extract_strided_slice %reshape3A {offsets = [6, 0, 0], sizes = [1, 8, 8192], strides = [1, 1, 1]} : vector<16x8x8192xf32> to vector<1x8x8192xf32>
    %squeeze3A_20 = vector.shape_cast %slice3A_19 : vector<1x8x8192xf32> to vector<8x8192xf32>
    %add3A_21 = arith.addf %add3A_18, %squeeze3A_20 : vector<8x8192xf32>
    %slice3A_22 = vector.extract_strided_slice %reshape3A {offsets = [7, 0, 0], sizes = [1, 8, 8192], strides = [1, 1, 1]} : vector<16x8x8192xf32> to vector<1x8x8192xf32>
    %squeeze3A_23 = vector.shape_cast %slice3A_22 : vector<1x8x8192xf32> to vector<8x8192xf32>
    %add3A_24 = arith.addf %add3A_21, %squeeze3A_23 : vector<8x8192xf32>
    %slice3A_25 = vector.extract_strided_slice %reshape3A {offsets = [8, 0, 0], sizes = [1, 8, 8192], strides = [1, 1, 1]} : vector<16x8x8192xf32> to vector<1x8x8192xf32>
    %squeeze3A_26 = vector.shape_cast %slice3A_25 : vector<1x8x8192xf32> to vector<8x8192xf32>
    %add3A_27 = arith.addf %add3A_24, %squeeze3A_26 : vector<8x8192xf32>
    %slice3A_28 = vector.extract_strided_slice %reshape3A {offsets = [9, 0, 0], sizes = [1, 8, 8192], strides = [1, 1, 1]} : vector<16x8x8192xf32> to vector<1x8x8192xf32>
    %squeeze3A_29 = vector.shape_cast %slice3A_28 : vector<1x8x8192xf32> to vector<8x8192xf32>
    %add3A_30 = arith.addf %add3A_27, %squeeze3A_29 : vector<8x8192xf32>
    %slice3A_31 = vector.extract_strided_slice %reshape3A {offsets = [10, 0, 0], sizes = [1, 8, 8192], strides = [1, 1, 1]} : vector<16x8x8192xf32> to vector<1x8x8192xf32>
    %squeeze3A_32 = vector.shape_cast %slice3A_31 : vector<1x8x8192xf32> to vector<8x8192xf32>
    %add3A_33 = arith.addf %add3A_30, %squeeze3A_32 : vector<8x8192xf32>
    %slice3A_34 = vector.extract_strided_slice %reshape3A {offsets = [11, 0, 0], sizes = [1, 8, 8192], strides = [1, 1, 1]} : vector<16x8x8192xf32> to vector<1x8x8192xf32>
    %squeeze3A_35 = vector.shape_cast %slice3A_34 : vector<1x8x8192xf32> to vector<8x8192xf32>
    %add3A_36 = arith.addf %add3A_33, %squeeze3A_35 : vector<8x8192xf32>
    %slice3A_37 = vector.extract_strided_slice %reshape3A {offsets = [12, 0, 0], sizes = [1, 8, 8192], strides = [1, 1, 1]} : vector<16x8x8192xf32> to vector<1x8x8192xf32>
    %squeeze3A_38 = vector.shape_cast %slice3A_37 : vector<1x8x8192xf32> to vector<8x8192xf32>
    %add3A_39 = arith.addf %add3A_36, %squeeze3A_38 : vector<8x8192xf32>
    %slice3A_40 = vector.extract_strided_slice %reshape3A {offsets = [13, 0, 0], sizes = [1, 8, 8192], strides = [1, 1, 1]} : vector<16x8x8192xf32> to vector<1x8x8192xf32>
    %squeeze3A_41 = vector.shape_cast %slice3A_40 : vector<1x8x8192xf32> to vector<8x8192xf32>
    %add3A_42 = arith.addf %add3A_39, %squeeze3A_41 : vector<8x8192xf32>
    %slice3A_43 = vector.extract_strided_slice %reshape3A {offsets = [14, 0, 0], sizes = [1, 8, 8192], strides = [1, 1, 1]} : vector<16x8x8192xf32> to vector<1x8x8192xf32>
    %squeeze3A_44 = vector.shape_cast %slice3A_43 : vector<1x8x8192xf32> to vector<8x8192xf32>
    %add3A_45 = arith.addf %add3A_42, %squeeze3A_44 : vector<8x8192xf32>
    %slice3A_46 = vector.extract_strided_slice %reshape3A {offsets = [15, 0, 0], sizes = [1, 8, 8192], strides = [1, 1, 1]} : vector<16x8x8192xf32> to vector<1x8x8192xf32>
    %squeeze3A_47 = vector.shape_cast %slice3A_46 : vector<1x8x8192xf32> to vector<8x8192xf32>
    %add3A_48 = arith.addf %add3A_45, %squeeze3A_47 : vector<8x8192xf32>
    %slice3A_49 = vector.extract_strided_slice %add3A_48 {offsets = [0, 0], sizes = [4, 8192], strides = [1, 1]} : vector<8x8192xf32> to vector<4x8192xf32>
    %slice3A_50 = vector.extract_strided_slice %add3A_48 {offsets = [4, 0], sizes = [4, 8192], strides = [1, 1]} : vector<8x8192xf32> to vector<4x8192xf32>
    %add3A_51 = arith.addf %slice3A_49, %slice3A_50 : vector<4x8192xf32>
    %slice3A_52 = vector.extract_strided_slice %add3A_51 {offsets = [0, 0], sizes = [2, 8192], strides = [1, 1]} : vector<4x8192xf32> to vector<2x8192xf32>
    %slice3A_53 = vector.extract_strided_slice %add3A_51 {offsets = [2, 0], sizes = [2, 8192], strides = [1, 1]} : vector<4x8192xf32> to vector<2x8192xf32>
    %add3A_54 = arith.addf %slice3A_52, %slice3A_53 : vector<2x8192xf32>
    %slice3A_55 = vector.extract_strided_slice %add3A_54 {offsets = [0, 0], sizes = [1, 8192], strides = [1, 1]} : vector<2x8192xf32> to vector<1x8192xf32>
    %squeeze3A_56 = vector.shape_cast %slice3A_55 : vector<1x8192xf32> to vector<8192xf32>
    %slice3A_57 = vector.extract_strided_slice %add3A_54 {offsets = [1, 0], sizes = [1, 8192], strides = [1, 1]} : vector<2x8192xf32> to vector<1x8192xf32>
    %squeeze3A_58 = vector.shape_cast %slice3A_57 : vector<1x8192xf32> to vector<8192xf32>
    %add3A_59 = arith.addf %squeeze3A_56, %squeeze3A_58 : vector<8192xf32>
    %sqrt3A = math.sqrt %add3A_59 : vector<8192xf32>
    %swap3A = arith.constant 0 : index
    %swap3A_60 = vector.load %arg2[%swap3A] : memref<8192xf32, #tpu.memory_space<vmem>>, vector<8192xf32>
    tpu.vector_store %arg2[%swap3A], %sqrt3A {strides = array<i32>} : memref<8192xf32, #tpu.memory_space<vmem>>, vector<8192xf32>,
    return
  }
  func.func @transform_0(%arg0: i32) -> (i32, i32) {
    %c0_i32 = arith.constant 0 : i32
    %c0_i32_0 = arith.constant 0 : i32
    return %arg0, %c0_i32 : i32, i32
  }
  func.func @transform_1(%arg0: i32) -> i32 {
    %c0_i32 = arith.constant 0 : i32
    return %arg0 : i32
  }
}

</mosaic_0001>

<sc_bundles>
// kernel: kernel.5.cloned.1.call-start
scs
__scs_entry_jumppad:
0x0: {  	(pc) =	sbr.rel $0x88, $3  }
0x1: {  	(tag) =	ssettag $0x0;
	lr =	simm.s32 $0x1  }
0x2: {  	[smem:$0x3F9F] =	sst lr;
	_ =	strace $0xD0000000  }
0x3: {  	_ = 	snop  }
0x4: {  	_ = 	snop  }
0x5: {  	_ = 	snop  }
0x6: {  	_ = 	snop  }
0x7: {  	_ = 	snop  }
__scs_overlays_trampoline_lowered:
0x8: {  	[smem:$0x3FAE] =	sst s0  }
0x9: {  	[smem:$0x3FAF] =	sst s1  }
0xa: {  	[smem:$0x3FB0] =	sst s2  }
0xb: {  	[smem:$0x3FB1] =	sst s3  }
0xc: {  	[smem:$0x3FB2] =	sst s4  }
0xd: {  	[smem:$0x3FB3] =	sst s5  }
0xe: {  	[smem:$0x3FB4] =	sst s6  }
0xf: {  	[smem:$0x3FB5] =	sst s7  }
0x10: {  	[smem:$0x3FB6] =	sst s8  }
0x11: {  	[smem:$0x3FB7] =	sst s9;
	s0 =	simm.s32 @!p0 $0x0  }
0x12: {  	s1 =	sld [smem:$0x3F9D];
	s0 =	simm.s32 @p0 $0x1  }
0x13: {  	[smem:$0x3FB8] =	sst s0;
	s0 =	simm.s32 @!p1 $0x0  }
0x14: {  	s2 =	sld [smem:$0x3F9C];
	s0 =	simm.s32 @p1 $0x1  }
0x15: {  	[smem:$0x3FB9] =	sst s0;
	s0 =	simm.s32 @!p2 $0x0  }
0x16: {  	s3 =	sld [smem:$0x3FDB];
	s0 =	simm.s32 @p2 $0x1  }
0x17: {  	s4 =	simm.s32 $0x1BF5;
	[smem:$0x3FBB] =	sst s0  }
0x18: {  	s0 =	sld [smem:$0x3F9E];
	_ =	swait.ge [sflag:s4], $0x0  }
0x19: {  	s7 =	sld [smem:$0x3F9F]  }
0x1a: {  	s8 =	sadd.s32 $0xFFFFE003, lr  }
0x1b: {  	s9 =	sadd.s32 $0xFFFFFEF7, lr;
	s5 =	simm.s32 $0xFFFFFFFF;
	p2 =	slt.u32 s8, $0xFFFFF086  }
0x1c: {  	p1 =	slt.u32 s9, $0xF7A;
	s5 =	simm.s32 @!p2 $0x0  }
0x1d: {  	s5 =	simm.s32 @p1 $0x1;
	p0 =	seq.s32 s7, s2  }
0x1e: {  	s7 =	smul.u32 @!p0 $0xF7A, s2;
	p2 =	seq.s32 @!p0 s5, $0x0  }
0x1f: {  	s9 =	smul.u32 $0xF7A, s1;
	s8 =	simm.s32 @!p0 $0x1BF5;
	p2 =	por !p2, p0  }
0x20: {  	[sflag:s8] =	ssyncset.s32 @!p0 $0xFFFFF086;
	s6 =	sadd.s32 @!p0 s3, s7;
	s7 =	simm.s32 @!p0 $0x108  }
0x21: {  	s3 =	sadd.s32 s3, s9;
	s6 =	sadd.s32 @!p0 $0x88, s6;
	s7 =	simm.s32 @p2 $0x1082  }
0x22: {  	[simem:s7], [sflag:s8] =	dma.local @!p0 [hbm:s6], $0xF7A  }
0x23: {  	s9 =	sor.u32 $0xD0000000, s2;
	s6 =	simm.s32 $0x108;
	_ =	swait.ge @!p0 [sflag:s8], $0x0  }
0x24: {  	s3 =	sadd.s32 $0x88, s3;
	s6 =	simm.s32 @!p1 $0x1082;
	[sflag:s4] =	ssyncset.s32 $0xFFFFF086  }
0x25: {  	[simem:s6], [sflag:s4] =	dma.local [hbm:s3], $0xF7A  }
0x26: {  	[smem:$0x3F9F] =	sst s1;
	(tag) =	ssettag s2;
	_ =	strace s9  }
0x27: {  	s1 =	sld [smem:$0x3FAF]  }
0x28: {  	s2 =	sld [smem:$0x3FB0]  }
0x29: {  	s4 =	sld [smem:$0x3FB2]  }
0x2a: {  	p0 =	seq.s32 s5, $0x0;
	s5 =	sld [smem:$0x3FB3]  }
0x2b: {  	s6 =	sld [smem:$0x3FB4]  }
0x2c: {  	s7 =	sld [smem:$0x3FB5]  }
0x2d: {  	s3 =	simm.s32 $0x108;
	s8 =	sld [smem:$0x3FB6]  }
0x2e: {  	s3 =	simm.s32 @!p0 $0x1082;
	s9 =	sld [smem:$0x3FB7]  }
0x2f: {  	lr =	sadd.s32 s0, s3;
	s0 =	sld [smem:$0x3FAE]  }
0x30: {  	s3 =	sld [smem:$0x3FB1]  }
0x31: {  	[smem:$0x3FBA] =	sst s10  }
0x32: {  	s10 =	sld [smem:$0x3FB8];
	_ =	sdelay $0x3  }
0x33: {  	p0 =	seq.s32 s10, $0x1;
	s10 =	sld [smem:$0x3FBA];
	_ =	sdelay $0x3  }
0x34: {  	[smem:$0x3FBA] =	sst s10  }
0x35: {  	s10 =	sld [smem:$0x3FB9];
	_ =	sdelay $0x3  }
0x36: {  	p1 =	seq.s32 s10, $0x1;
	s10 =	sld [smem:$0x3FBA];
	_ =	sdelay $0x3  }
0x37: {  	[smem:$0x3FBA] =	sst s10  }
0x38: {  	s10 =	sld [smem:$0x3FBB]  }
0x39: {  	_ = 	snop;
	(pc) =	sbr.ind lr, $3  }
0x3a: {  	_ = 	snop  }
0x3b: {  	_ = 	snop  }
0x3c: {  	p2 =	seq.s32 s10, $0x1;
	s10 =	sld [smem:$0x3FBA]  }
0x3d: {  	_ =	shalt  }
0x3e: {  	_ =	shalt  }
0x3f: {  	_ =	shalt  }
0x40: {  	_ =	shalt  }
0x41: {  	_ =	shalt  }
0x42: {  	_ =	shalt  }
0x43: {  	_ =	shalt  }
0x44: {  	_ =	shalt  }
0x45: {  	_ =	shalt  }
0x46: {  	_ =	shalt  }
0x47: {  	_ =	shalt  }
0x48: {  	_ =	shalt  }
0x49: {  	_ =	shalt  }
0x4a: {  	_ =	shalt  }
0x4b: {  	_ =	shalt  }
0x4c: {  	_ =	shalt  }
0x4d: {  	_ =	shalt  }
0x4e: {  	_ =	shalt  }
0x4f: {  	_ =	shalt  }
0x50: {  	_ =	shalt  }
0x51: {  	_ =	shalt  }
0x52: {  	_ =	shalt  }
0x53: {  	_ =	shalt  }
0x54: {  	_ =	shalt  }
0x55: {  	_ =	shalt  }
0x56: {  	_ =	shalt  }
0x57: {  	_ =	shalt  }
0x58: {  	_ =	shalt  }
0x59: {  	_ =	shalt  }
0x5a: {  	_ =	shalt  }
0x5b: {  	_ =	shalt  }
0x5c: {  	_ =	shalt  }
0x5d: {  	_ =	shalt  }
0x5e: {  	_ =	shalt  }
0x5f: {  	_ =	shalt  }
0x60: {  	_ =	shalt  }
0x61: {  	_ =	shalt  }
0x62: {  	_ =	shalt  }
0x63: {  	_ =	shalt  }
0x64: {  	_ =	shalt  }
0x65: {  	_ =	shalt  }
0x66: {  	_ =	shalt  }
0x67: {  	_ =	shalt  }
0x68: {  	_ =	shalt  }
0x69: {  	_ =	shalt  }
0x6a: {  	_ =	shalt  }
0x6b: {  	_ =	shalt  }
0x6c: {  	_ =	shalt  }
0x6d: {  	_ =	shalt  }
0x6e: {  	_ =	shalt  }
0x6f: {  	_ =	shalt  }
0x70: {  	_ =	shalt  }
0x71: {  	_ =	shalt  }
0x72: {  	_ =	shalt  }
0x73: {  	_ =	shalt  }
0x74: {  	_ =	shalt  }
0x75: {  	_ =	shalt  }
0x76: {  	_ =	shalt  }
0x77: {  	_ =	shalt  }
0x78: {  	_ =	shalt  }
0x79: {  	_ =	shalt  }
0x7a: {  	_ =	shalt  }
0x7b: {  	_ =	shalt  }
0x7c: {  	_ =	shalt  }
0x7d: {  	_ =	shalt  }
0x7e: {  	_ =	shalt  }
0x7f: {  	_ =	shalt  }
0x80: {  	_ =	shalt  }
0x81: {  	_ =	shalt  }
0x82: {  	_ =	shalt  }
0x83: {  	_ =	shalt  }
0x84: {  	_ =	shalt  }
0x85: {  	_ =	shalt  }
0x86: {  	_ =	shalt  }
0x87: {  	_ =	shalt  }
.Lfunc_end0:
.L_simem_size_0:
called_computation_lowered:
.L_overlay_start_0:
0x88: {  	s0 =	sld [smem:$0x3FD9]  }
0x89: {  	s1 =	sld [smem:$0x3FFE];
	_ =	sdelay $0x3  }
0x8a: {  	s0 =	sadd.s32 s1, s0  }
0x8b: {  	[smem:$0x3FC6] =	sst s0  }
0x8c: {  	_ = 	snop  }
0x8d: {  	s0 =	sld [smem:$0x3FD0];
	_ =	sdelay $0x2  }
0x8e: {  	s13 =	simm.s32 $0xA;
	s2 =	simm.s32 $0x10  }
0x8f: {  	[smem:s2], [sflag:s13] =	dma.local [hbm:s0], $0x1  }
0x90: {  	_ =	swait.eq [sflag:s13], $0x1  }
0x91: {  	[sflag:s13] =	ssyncset.done $0x0  }
0x92: {  	[sflag:s13] =	ssyncadd.s32 $0xFFFFFFFF  }
0x93: {  	s14 =	sld [smem:$0x10];
	(tm) =	ssettm $0x1  }
0x94: {  	s15 =	sld [smem:$0x3FFB];
	_ =	sdelay $0x3  }
0x95: {  	_ =	strace s15  }
0x96: {  	s1 =	sld [smem:$0x3FFC];
	_ =	sdelay $0x3  }
0x97: {  	_ =	strace s1  }
0x98: {  	s1 =	sld [smem:$0x3FFD];
	_ =	sdelay $0x3  }
0x99: {  	_ =	strace s1  }
0x9a: {  	_ =	strace $0x8FFFFFFF  }
0x9b: {  	s16 =	sld [smem:$0x3FDB];
	_ =	sdelay $0x1  }
0x9c: {  	s17 =	simm.s32 $_scs_section_size  }
0x9d: {  	s3 =	simm.s32 $_size__tile_overlayer_lowered;
	s4 =	simm.s32 $_tile_overlayer_lowered  }
0x9e: {  	s20 =	simm.s32 $0x1BFF;
	s19 =	sshll.u32 s4, $0x1;
	s1 =	sadd.s32 s17, s16  }
0x9f: {  	s5 =	simm.s32 $0x0;
	s18 =	sshll.u32 s3, $0x1;
	s3 =	sadd.s32 s19, s1  }
0xa0: {  	[timem:s5], [sflag:s20] =	dma.local [hbm:s3], s18  }
0xa1: {  	_ =	swait.ge [sflag:s20], s18  }
0xa2: {  	s2 =	ssub.s32 $0x0, s18;
	[sflag:s20] =	ssyncset.done $0x0  }
0xa3: {  	[sflag:s20] =	ssyncadd.s32 s2;
	_ =	sdelay $0x1  }
0xa4: {  	s21 =	simm.s32 $0x1B8B  }
0xa5: {  	_ =	swait.ge [sflag:s21], $0x1  }
0xa6: {  	[sflag:s21] =	ssyncset.done $0x0  }
0xa7: {  	s23 =	simm.s32 $0x1B8E;
	s22 =	sld [smem:$0x3FFE];
	[sflag:s21] =	ssyncadd.s32 $0xFFFFFFFF  }
0xa8: {  	s24 =	simm.s32 $execute0_lowered;
	[smem:$0x3FD2] =	sst s23  }
0xa9: {  	s3 =	sshll.u32 s24, $0x1;
	_ =	strace $0x80000046;
	[dreg:$0x1] =	wrdreg $0xFFFFFFFF  }
0xaa: {  	s25 =	simm.s32 $_size_execute0_lowered;
	s1 =	sadd.s32 s1, s3;
	[dreg:$0x0] =	wrdreg $0x0  }
0xab: {  	s3 =	sshll.u32 s25, $0x1;
	[dreg:$0x2] =	wrdreg s1  }
0xac: {  	[dreg:$0x3] =	wrdreg s3  }
0xad: {  	[dreg:$0x4] =	wrdreg $0xC0  }
0xae: {  	_ =	task [dreg:s5], $0x5FFFF  }
0xaf: {  	[dreg:$0x1] =	wrdreg $0xFFFFFFFF  }
0xb0: {  	[dreg:$0x0] =	wrdreg $0x60  }
0xb1: {  	[dreg:$0x2] =	wrdreg s14  }
0xb2: {  	[dreg:$0x3] =	wrdreg s22  }
0xb3: {  	[dreg:$0x4] =	wrdreg $0x5A000  }
0xb4: {  	[dreg:$0x5] =	wrdreg $0x62000  }
0xb5: {  	[dreg:$0x6] =	wrdreg $0x6A000  }
0xb6: {  	[dreg:$0x7] =	wrdreg $0x72000  }
0xb7: {  	[dreg:$0x8] =	wrdreg $0x7A000  }
0xb8: {  	[dreg:$0x9] =	wrdreg $0x9  }
0xb9: {  	_ =	task.clear_ibuf [dreg:s5], $0xAFFFF;
	_ =	strace $0x90000046  }
0xba: {  	s26 =	simm.s32 $0x9;
	_ =	strace $0x80000048  }
0xbb: {  	_ =	swait.ge [sflag:s26], $0x1  }
0xbc: {  	[sflag:s26] =	ssyncadd.s32 $0xFFFFFFFF  }
0xbd: {  	_ =	strace $0x90000048  }
0xbe: {  	_ =	sfence  }
0xbf: {  	s28 =	sld [smem:$0x0];
	_ =	sdelay $0x1  }
0xc0: {  	s29 =	srdreg.scid  }
0xc1: {  	s30 =	sshll.u32 s29, $0xD;
	s31 =	sshrl.u32 s29, $0x2  }
0xc2: {  	s2 =	sand.u32 $0x4000, s30;
	s1 =	sand.u32 $0x1, s29;
	s0 =	sadd.s32 s31, s28  }
0xc3: {  	s1 =	sor.u32 s2, s1;
	s0 =	sshll.u32 s0, $0x11  }
0xc4: {  	s0 =	sor.u32 s0, s1  }
0xc5: {  	s0 =	sadd.s32 $0x8F2B, s0  }
0xc6: {  	[sflag:s0] =	ssyncadd.remote.s32 $0x1  }
0xc7: {  	_ =	sfence.sel $0xFFFF  }
0xc8: {  	[dreg:$0x0] =	wrdreg $0xFFFFFFFF;
	(pc) =	sbr.abs _section_cstart, $3  }
0xc9: {  	[dreg:$0x1] =	wrdreg $0xFFFFFFFF  }
0xca: {  	_ =	task.clear_ibuf [dreg:s5], $0x2FFFF;
	_ =	strace $0x9FFFFFFF  }
0xcb: {  	(tm) =	ssettm $0x7FFFFFFF  }
tec
execute0_lowered:
.L_overlay_start_1:
0x0: {  	(tag) =	ssettag $0x1  }
0x1: {  	s11 =	rddreg [dreg:$0x0]  }
0x2: {  	s1 =	rddreg [dreg:$0x1]  }
0x3: {  	s4 =	rddreg [dreg:$0x2]  }
0x4: {  	s5 =	rddreg [dreg:$0x3]  }
0x5: {  	s6 =	rddreg [dreg:$0x4]  }
0x6: {  	s8 =	rddreg [dreg:$0x5]  }
0x7: {  	s9 =	rddreg [dreg:$0x6]  }
0x8: {  	s0 =	rddreg [dreg:$0x7];
	s10 =	simm.s32 $0x0;
	s2 =	stileid.u32  }
0x9: {  	s14 =	simm.s32 $0x1;
	s15 =	simm.s32 $0x1;
	s16 =	simm.s32 $0x1  }
0xa: {  	s17 =	simm.s32 $0x1;
	s18 =	simm.s32 $0x1;
	s19 =	simm.s32 $0x1  }
0xb: {  	s20 =	simm.s32 $0x1;
	s21 =	simm.s32 $0x1;
	s22 =	simm.s32 $0x1  }
0xc: {  	s23 =	simm.s32 $0x1;
	s24 =	simm.s32 $0x1;
	s25 =	simm.s32 $0x1  }
0xd: {  	s26 =	simm.s32 $0x1;
	s28 =	simm.s32 $0x1;
	s29 =	simm.s32 $0x1  }
0xe: {  	[smem:$0x7FF] =	sst s10;
	s3 =	sadd.s32 $0x1400, s1;
	s1 =	sadd.s32 $0x1800, s1  }
0xf: {  	s7 =	sshll.u32 s2, $0x8;
	s12 =	sshll.u32 s2, $0x7;
	p0 =	sne.s32 s2, $0x0  }
0x10: {  	p1 =	sgt.u32 s2, $0x1;
	p2 =	sgt.u32 s2, $0x2;
	_ =	strace $0x80000047  }
0x11: {  	s13 =	sadd.s32 s11, s7;
	s31 =	sand.u32 $0x800, s7;
	s12 =	sand.u32 $0x380, s12  }
0x12: {  	s14 =	simm.s32 @!p0 $0x0;
	s15 =	simm.s32 @!p1 $0x0;
	s16 =	simm.s32 @!p2 $0x0  }
0x13: {  	p1 =	sgt.u32 s2, $0x3;
	p2 =	sgt.u32 s2, $0x4;
	s11 =	sadd.s32 s31, s9  }
0x14: {  	[tilespmem:s10], [sflag:$0x1] =	stream.linear.gather [hbm4b:s13+s10], $0x800, $0x38;
	[tilespmem:$0x7B00] =	vst v63  }
0x15: {  	s18 =	simm.s32 @!p2 $0x0;
	p2 =	sgt.u32 s2, $0x5;
	s17 =	simm.s32 @!p1 $0x0  }
0x16: {  	s13 =	simm.s32 $0x1;
	v2 =	vmov s16;
	s16 =	simm.s32 $0x3100;
	s11 =	sadd.s32 s12, s11  }
0x17: {  	s19 =	simm.s32 @!p2 $0x0;
	p2 =	sgt.u32 s2, $0x6;
	s12 =	sshll.u32 s2, $0xB  }
0x18: {  	_ =	swait.ge [sflag:s13], $0x800;
	s20 =	simm.s32 @!p2 $0x0;
	p2 =	sgt.u32 s2, $0x7  }
0x19: {  	v3 =	vmov s17;
	s17 =	simm.s32 $0x80;
	s21 =	simm.s32 @!p2 $0x0;
	p2 =	sgt.u32 s2, $0x8  }
0x1a: {  	v4 =	vmov s18;
	s18 =	simm.s32 $0x400;
	s22 =	simm.s32 @!p2 $0x0;
	p2 =	sgt.u32 s2, $0x9  }
0x1b: {  	v0 =	vmov s14;
	s14 =	sadd.s32 s12, s8;
	s23 =	simm.s32 @!p2 $0x0;
	p2 =	sgt.u32 s2, $0xA  }
0x1c: {  	[sflag:s13] =	ssyncset.done $0x0;
	s24 =	simm.s32 @!p2 $0x0;
	p2 =	sgt.u32 s2, $0xB  }
0x1d: {  	v1 =	vmov s15;
	s15 =	sadd.s32 s12, s5;
	s25 =	simm.s32 @!p2 $0x0;
	p2 =	sgt.u32 s2, $0xC  }
0x1e: {  	v15 =	vimm.s32 $0x0;
	v16 =	vlaneseq.u32;
	v5 =	vmov s19;
	s19 =	simm.s32 $0x3200;
	s26 =	simm.s32 @!p2 $0x0;
	p2 =	sgt.u32 s2, $0xD  }
0x1f: {  	v6 =	vmov s20;
	[sflag:s13] =	ssyncadd.s32 $0xFFFFF800;
	v7 =	vmov s21;
	v8 =	vmov s22;
	s28 =	simm.s32 @!p2 $0x0;
	p2 =	seq.s32 s2, $0xF  }
0x20: {  	s20 =	simm.s32 $0x3000;
	s21 =	simm.s32 $0x1800;
	v9 =	vmov s23;
	v10 =	vmov s24;
	v11 =	vmov s25;
	s29 =	simm.s32 @!p2 $0x0  }
0x21: {  	s22 =	simm.s32 $0x800;
	s23 =	simm.s32 $0x1000;
	s24 =	simm.s32 $0x0;
	v12 =	vmov s26;
	v13 =	vmov s28;
	v14 =	vmov s29  }
.LBB2_1:
0x22: {  	[tilespmem:$0x3100] =	vst v15  }
0x23: {  	[tilespmem:$0x3110] =	vst v15  }
0x24: {  	[tilespmem:$0x3120] =	vst v15  }
0x25: {  	[tilespmem:$0x3130] =	vst v15  }
0x26: {  	[tilespmem:$0x3140] =	vst v15  }
0x27: {  	[tilespmem:$0x3150] =	vst v15  }
0x28: {  	[tilespmem:$0x3160] =	vst v15  }
0x29: {  	[tilespmem:$0x3170] =	vst v15  }
0x2a: {  	[tilespmem:$0x3180] =	vst v15  }
0x2b: {  	[tilespmem:$0x3190] =	vst v15  }
0x2c: {  	[tilespmem:$0x31A0] =	vst v15;
	p2 =	sne.s32 s24, $0x0  }
.Ltmp0:
0x2d: {  	[tilespmem:$0x31B0] =	vst v15;
	(pc) =	sbr.rel @!p2 .LBB2_2-.Ltmp0, $4  }
0x2e: {  	[tilespmem:$0x31C0] =	vst v15  }
0x2f: {  	[tilespmem:$0x31D0] =	vst v15  }
0x30: {  	[tilespmem:$0x31E0] =	vst v15  }
0x31: {  	[tilespmem:$0x31F0] =	vst v15  }
0x32: {  	s25 =	sand.u32 $0x1, s24  }
0x33: {  	p2 =	seq.s32 s25, $0x1;
	s25 =	smov.u32 s6  }
0x34: {  	s25 =	smov.u32 @p2 s4  }
0x35: {  	s25 =	sadd.s32 s12, s25  }
0x36: {  	[tilespmem:s22], [sflag:$0x1] =	stream.linear.gather [spmem:s25], $0x800, $0x38;
	[tilespmem:$0x7B00] =	vst v63  }
0x37: {  	_ =	swait.ge [sflag:s13], $0x800  }
0x38: {  	s25 =	smov.u32 s14;
	[sflag:s13] =	ssyncset.done $0x0  }
0x39: {  	s25 =	smov.u32 @p2 s15;
	[sflag:s13] =	ssyncadd.s32 $0xFFFFF800  }
0x3a: {  	[tilespmem:s23], [sflag:$0x1] =	stream.linear.gather [spmem:s25], $0x800, $0x38;
	[tilespmem:$0x7B00] =	vst v63  }
0x3b: {  	_ =	swait.ge [sflag:s13], $0x800  }
0x3c: {  	s31 =	sshll.u32 s24, $0x3;
	[sflag:s13] =	ssyncset.done $0x0  }
0x3d: {  	s26 =	simm.s32 $0x40;
	v17 =	vmov s31;
	s25 =	simm.s32 $0x0;
	[sflag:s13] =	ssyncadd.s32 $0xFFFFF800  }
.LBB2_6:
0x3e: {  	p2 =	sne.s32 s26, $0x1FC0;
	v18 =	vld [tilespmem:s25+$0x800];
	_ =	sdelay $0x4  }
0x3f: {  	v18 =	vshrl.u32 v18, v17  }
0x40: {  	v18 =	vand.u32 $0xFF, v18  }
0x41: {  	(xrf1) =	vunique.msk.u32 $0xffff, v18;
	_ =	sdelay $0xd  }
0x42: {  	_, v19, vm0 =	vpop (xrf1);
	_ =	sdelay $0x1  }
.Ltmp1:
0x43: {  	(pc) =	sbr.rel @p2 .LBB2_6-.Ltmp1, $4  }
0x44: {  	_ = 	snop  }
0x45: {  	v20 =	vsel vm0, $0x1, v15;
	[tilespmem:s25+$0x2000] =	vst v19  }
0x46: {  	[tilespmem:s25+$0x2800] =	vst v20  }
0x47: {  	s25 =	sshra.s32 s26, $0x2;
	s26 =	sadd.s32 $0x40, s26;
	[tilespmem:v18+s16+$0x0] =	vst.idx.add.s32.msk vm0, v19  }
0x48: {  	v18 =	vld [tilespmem:s25+$0x800];
	_ =	sdelay $0x4  }
0x49: {  	v17 =	vshrl.u32 v18, v17  }
0x4a: {  	v17 =	vand.u32 $0xFF, v17  }
0x4b: {  	(xrf1) =	vunique.msk.u32 $0xffff, v17;
	_ =	sdelay $0xd  }
0x4c: {  	_, v18, vm0 =	vpop (xrf1);
	_ =	sdelay $0x1  }
.Ltmp2:
0x4d: {  	_ = 	snop;
	(pc) =	sbr.rel .LBB2_8-.Ltmp2, $4  }
0x4e: {  	_ = 	snop  }
0x4f: {  	[tilespmem:s25+$0x2000] =	vst v18;
	v19 =	vsel vm0, $0x1, v15  }
0x50: {  	[tilespmem:s25+$0x2800] =	vst v19  }
0x51: {  	[tilespmem:v17+s16+$0x0] =	vst.idx.add.s32.msk vm0, v18  }
.LBB2_2:
0x52: {  	s25 =	sshra.s32 s10, $0x2  }
0x53: {  	v17 =	vld [tilespmem:s25+$0x0];
	_ =	sdelay $0x4  }
0x54: {  	v18 =	vandn.u32 $0xFF, v17  }
0x55: {  	(xrf1) =	vunique.msk.u32 $0xffff, v18;
	_ =	sdelay $0xd  }
0x56: {  	_, v19, vm0 =	vpop (xrf1)  }
0x57: {  	v20 =	vor.u32 s12, v16  }
0x58: {  	[tilespmem:s25+$0x1000] =	vst v20;
	v17 =	vxor.u32 $0xFFFFFFFF, v17  }
0x59: {  	[tilespmem:s25+$0x800] =	vst v17  }
0x5a: {  	[tilespmem:s25+$0x2000] =	vst v19;
	v17 =	vsel vm0, $0x1, v15  }
0x5b: {  	s26 =	sadd.s32 $0x40, s10;
	[tilespmem:s25+$0x2800] =	vst v17  }
0x5c: {  	s28 =	sadd.s32 $0x40, s26;
	s25 =	sshra.s32 s26, $0x2;
	s26 =	smov.u32 s12;
	[tilespmem:v18+s16+$0x0] =	vst.idx.add.s32.msk vm0, v19  }
.LBB2_3:
0x5d: {  	p2 =	seq.s32 s28, $0x1FC0;
	v17 =	vld [tilespmem:s25+$0x0];
	_ =	sdelay $0x4  }
0x5e: {  	v18 =	vandn.u32 $0xFF, v17  }
0x5f: {  	(xrf1) =	vunique.msk.u32 $0xffff, v18;
	_ =	sdelay $0xd  }
0x60: {  	s26 =	sadd.s32 $0x10, s26;
	_, v19, vm0 =	vpop (xrf1)  }
0x61: {  	v20 =	vor.u32 s26, v16  }
.Ltmp3:
0x62: {  	v17 =	vxor.u32 $0xFFFFFFFF, v17;
	[tilespmem:s25+$0x1000] =	vst v20;
	(pc) =	sbr.rel @!p2 .LBB2_3-.Ltmp3, $4  }
0x63: {  	[tilespmem:s25+$0x800] =	vst v17  }
0x64: {  	v17 =	vsel vm0, $0x1, v15;
	[tilespmem:s25+$0x2000] =	vst v19  }
0x65: {  	[tilespmem:s25+$0x2800] =	vst v17  }
0x66: {  	s25 =	sshra.s32 s28, $0x2;
	s28 =	sadd.s32 $0x40, s28;
	[tilespmem:v18+s16+$0x0] =	vst.idx.add.s32.msk vm0, v19  }
0x67: {  	v17 =	vld [tilespmem:s25+$0x0];
	_ =	sdelay $0x4  }
0x68: {  	v18 =	vandn.u32 $0xFF, v17  }
0x69: {  	(xrf1) =	vunique.msk.u32 $0xffff, v18;
	_ =	sdelay $0xd  }
0x6a: {  	s26 =	sadd.s32 $0x10, s26;
	_, v19, vm0 =	vpop (xrf1)  }
0x6b: {  	v20 =	vor.u32 s26, v16  }
0x6c: {  	[tilespmem:s25+$0x1000] =	vst v20;
	v17 =	vxor.u32 $0xFFFFFFFF, v17  }
0x6d: {  	[tilespmem:s25+$0x800] =	vst v17  }
0x6e: {  	[tilespmem:s25+$0x2000] =	vst v19;
	v17 =	vsel vm0, $0x1, v15  }
0x6f: {  	[tilespmem:s25+$0x2800] =	vst v17  }
0x70: {  	[tilespmem:v18+s16+$0x0] =	vst.idx.add.s32.msk vm0, v19  }
.LBB2_8:
0x71: {  	[spmem:s11] =	stream.strided.scatter [tilespmem:s16], [sflag:$0x1], $0x100, s18, s17, $0x38;
	[tilespmem:$0x7B00] =	vst v63  }
0x72: {  	_ =	swait.ge [sflag:s13], $0x100  }
0x73: {  	[sflag:s13] =	ssyncset.done $0x0  }
0x74: {  	[sflag:s13] =	ssyncadd.s32 $0xFFFFFF00  }
0x75: {  	[bflag:$0x0] =	sbarrier.arrive $0xFFFF  }
0x76: {  	[tilespmem:s19], [sflag:$0x1] =	stream.linear.gather [spmem:s9], $0x1000, $0x38;
	[tilespmem:$0x7B00] =	vst v63  }
0x77: {  	s25 =	simm.s32 $0x0;
	_ =	swait.ge [sflag:s13], $0x1000  }
0x78: {  	s26 =	sand.u32 $0x70, s25;
	s28 =	sand.u32 $0x400, s25;
	[sflag:s13] =	ssyncset.done $0x0  }
0x79: {  	s26 =	sor.u32 s26, s28;
	[sflag:s13] =	ssyncadd.s32 $0xFFFFF000  }
0x7a: {  	v17 =	vld [tilespmem:s26+$0x3280]  }
0x7b: {  	v18 =	vld [tilespmem:s26+$0x3200]  }
0x7c: {  	v19 =	vld [tilespmem:s26+$0x3300]  }
0x7d: {  	v20 =	vld [tilespmem:s26+$0x3380]  }
0x7e: {  	v21 =	vld [tilespmem:s26+$0x3400]  }
0x7f: {  	v22 =	vld [tilespmem:s26+$0x3480]  }
0x80: {  	v24 =	vld [tilespmem:s26+$0x3500];
	v23 =	vadd.s32 v18, v17  }
0x81: {  	v25 =	vld [tilespmem:s26+$0x3580];
	v23 =	vadd.s32 v19, v23  }
0x82: {  	v26 =	vld [tilespmem:s26+$0x3A00];
	v23 =	vadd.s32 v20, v23  }
0x83: {  	v27 =	vld [tilespmem:s26+$0x3A80];
	v23 =	vadd.s32 v21, v23  }
0x84: {  	v28 =	vld [tilespmem:s26+$0x3B00];
	v23 =	vadd.s32 v22, v23  }
0x85: {  	v29 =	vld [tilespmem:s26+$0x3B80];
	v18 =	vmul.u32 v0, v18;
	v23 =	vadd.s32 v24, v23  }
0x86: {  	v30 =	vld [tilespmem:s26+$0x3C00];
	v17 =	vmul.u32 v1, v17;
	v23 =	vadd.s32 v25, v23  }
0x87: {  	v31 =	vld [tilespmem:s26+$0x3C80];
	v19 =	vmul.u32 v2, v19;
	v18 =	vadd.s32 s25, v18;
	v23 =	vadd.s32 v26, v23  }
0x88: {  	v59 =	vld [tilespmem:s26+$0x3D00];
	v20 =	vmul.u32 v3, v20;
	v17 =	vadd.s32 v17, v18;
	v58 =	vadd.s32 v27, v23  }
0x89: {  	v60 =	vld [tilespmem:s26+$0x3D80];
	v18 =	vmul.u32 v4, v21;
	v17 =	vadd.s32 v19, v17;
	v21 =	vadd.s32 v28, v58  }
0x8a: {  	v19 =	vmul.u32 v5, v22;
	v17 =	vadd.s32 v20, v17;
	v21 =	vadd.s32 v29, v21  }
0x8b: {  	v61 =	vmul.u32 v6, v24;
	v17 =	vadd.s32 v18, v17;
	v21 =	vadd.s32 v30, v21  }
0x8c: {  	v18 =	vmul.u32 v7, v25;
	v17 =	vadd.s32 v19, v17;
	v21 =	vadd.s32 v31, v21  }
0x8d: {  	v19 =	vmul.u32 v8, v26;
	v17 =	vadd.s32 v61, v17;
	v21 =	vadd.s32 v59, v21  }
0x8e: {  	v62 =	vmul.u32 v9, v27;
	v17 =	vadd.s32 v18, v17;
	v21 =	vadd.s32 v60, v21  }
0x8f: {  	v18 =	vmul.u32 v10, v28;
	v17 =	vadd.s32 v19, v17;
	(xrf0) =	vadd.scan.msk.s32 $0xffff, v21  }
0x90: {  	v17 =	vadd.s32 v62, v17  }
0x91: {  	v19 =	vmul.u32 v11, v29;
	v17 =	vadd.s32 v18, v17;
	v18 =	vmul.u32 v13, v31  }
0x92: {  	v63 =	vmul.u32 v12, v30  }
0x93: {  	v17 =	vadd.s32 v19, v17  }
0x94: {  	v19 =	vmul.u32 v14, v59;
	v17 =	vadd.s32 v63, v17  }
0x95: {  	v17 =	vadd.s32 v18, v17;
	v18, _, _ =	vpop (xrf0)  }
0x96: {  	v17 =	vadd.s32 v19, v17;
	(v2sf) =	vpush v18, $0xF  }
0x97: {  	s29 =	simm.s32 $0x10;
	s28 =	simm.s32 $0x80;
	v17 =	vsub.s32 v17, v21  }
0x98: {  	s29 =	sand.u32 $0x70, s29;
	s30 =	sand.u32 $0x400, s28;
	s26 =	simm.s32 $0x3000;
	v17 =	vadd.s32 v18, v17  }
0x99: {  	s30 =	sor.u32 s29, s30;
	s29 =	simm.s32 $0x20;
	[tilespmem:s26+$0x0] =	vst v17  }
.LBB2_9:
0x9a: {  	p2 =	sne.s32 s29, $0xF0;
	v17 =	vld [tilespmem:s30+$0x3280]  }
0x9b: {  	v18 =	vld [tilespmem:s30+$0x3200]  }
0x9c: {  	v19 =	vld [tilespmem:s30+$0x3300]  }
0x9d: {  	v20 =	vld [tilespmem:s30+$0x3380]  }
0x9e: {  	v21 =	vld [tilespmem:s30+$0x3400]  }
0x9f: {  	v22 =	vmul.u32 v1, v17;
	v23 =	vld [tilespmem:s30+$0x3480]  }
0xa0: {  	v24 =	vmul.u32 v0, v18;
	v17 =	vadd.s32 v18, v17;
	v18 =	vld [tilespmem:s30+$0x3500]  }
0xa1: {  	v17 =	vadd.s32 v19, v17;
	v19 =	vmul.u32 v2, v19;
	v25 =	vld [tilespmem:s30+$0x3580]  }
0xa2: {  	v17 =	vadd.s32 v20, v17;
	v20 =	vmul.u32 v3, v20;
	v26 =	vld [tilespmem:s30+$0x3A00]  }
0xa3: {  	v17 =	vadd.s32 v21, v17;
	v21 =	vmul.u32 v4, v21;
	v27 =	vld [tilespmem:s30+$0x3A80]  }
0xa4: {  	v17 =	vadd.s32 v23, v17;
	v23 =	vmul.u32 v5, v23;
	v28 =	vld [tilespmem:s30+$0x3B00]  }
0xa5: {  	v17 =	vadd.s32 v18, v17;
	v18 =	vmul.u32 v6, v18;
	v29 =	vld [tilespmem:s30+$0x3B80];
	s31 =	spop (v2sf)  }
0xa6: {  	v17 =	vadd.s32 v25, v17;
	v25 =	vmul.u32 v7, v25;
	v30 =	vld [tilespmem:s30+$0x3C00];
	s25 =	sadd.s32 s25, s31  }
0xa7: {  	v17 =	vadd.s32 v26, v17;
	v26 =	vmul.u32 v8, v26;
	v31 =	vld [tilespmem:s30+$0x3C80];
	v24 =	vadd.s32 s25, v24  }
0xa8: {  	v17 =	vadd.s32 v27, v17;
	v27 =	vmul.u32 v9, v27;
	v32 =	vld [tilespmem:s30+$0x3D00];
	v22 =	vadd.s32 v22, v24  }
0xa9: {  	v17 =	vadd.s32 v28, v17;
	v24 =	vmul.u32 v10, v28;
	v28 =	vld [tilespmem:s30+$0x3D80];
	v19 =	vadd.s32 v19, v22  }
0xaa: {  	v17 =	vadd.s32 v29, v17;
	v22 =	vmul.u32 v11, v29;
	v19 =	vadd.s32 v20, v19  }
0xab: {  	v17 =	vadd.s32 v30, v17;
	v20 =	vmul.u32 v12, v30;
	v19 =	vadd.s32 v21, v19  }
0xac: {  	v17 =	vadd.s32 v31, v17;
	v21 =	vmul.u32 v13, v31;
	v19 =	vadd.s32 v23, v19  }
0xad: {  	v17 =	vadd.s32 v32, v17;
	v23 =	vmul.u32 v14, v32;
	v18 =	vadd.s32 v18, v19  }
0xae: {  	v17 =	vadd.s32 v28, v17;
	v18 =	vadd.s32 v25, v18  }
0xaf: {  	v18 =	vadd.s32 v26, v18;
	(xrf0) =	vadd.scan.msk.s32 $0xffff, v17  }
0xb0: {  	v18 =	vadd.s32 v27, v18  }
0xb1: {  	v18 =	vadd.s32 v24, v18  }
0xb2: {  	v18 =	vadd.s32 v22, v18  }
0xb3: {  	v18 =	vadd.s32 v20, v18  }
0xb4: {  	v18 =	vadd.s32 v21, v18  }
.Ltmp4:
0xb5: {  	v18 =	vadd.s32 v23, v18;
	v19, _, _ =	vpop (xrf0);
	(pc) =	sbr.rel @p2 .LBB2_9-.Ltmp4, $4  }
0xb6: {  	v17 =	vsub.s32 v18, v17;
	(v2sf) =	vpush v19, $0xF  }
0xb7: {  	s28 =	sadd.s32 $0x80, s28;
	s26 =	sadd.s32 $0x10, s26;
	v17 =	vadd.s32 v19, v17  }
0xb8: {  	s31 =	sand.u32 $0x400, s28;
	s30 =	sand.u32 $0x70, s29;
	[tilespmem:s26+$0x0] =	vst v17  }
0xb9: {  	s29 =	sadd.s32 $0x10, s29;
	s30 =	sor.u32 s30, s31  }
0xba: {  	_ = 	snop  }
0xbb: {  	v17 =	vld [tilespmem:s30+$0x3280]  }
0xbc: {  	v18 =	vld [tilespmem:s30+$0x3200]  }
0xbd: {  	v19 =	vld [tilespmem:s30+$0x3300]  }
0xbe: {  	v20 =	vld [tilespmem:s30+$0x3380]  }
0xbf: {  	v21 =	vld [tilespmem:s30+$0x3400]  }
0xc0: {  	v22 =	vld [tilespmem:s30+$0x3480]  }
0xc1: {  	v24 =	vld [tilespmem:s30+$0x3500];
	v23 =	vadd.s32 v18, v17  }
0xc2: {  	v25 =	vld [tilespmem:s30+$0x3580];
	v23 =	vadd.s32 v19, v23  }
0xc3: {  	v26 =	vld [tilespmem:s30+$0x3A00];
	v23 =	vadd.s32 v20, v23  }
0xc4: {  	v27 =	vld [tilespmem:s30+$0x3A80];
	v23 =	vadd.s32 v21, v23  }
0xc5: {  	v28 =	vld [tilespmem:s30+$0x3B00];
	v18 =	vmul.u32 v0, v18;
	v23 =	vadd.s32 v22, v23;
	s28 =	spop (v2sf)  }
0xc6: {  	v29 =	vld [tilespmem:s30+$0x3B80];
	v17 =	vmul.u32 v1, v17;
	v23 =	vadd.s32 v24, v23;
	s25 =	sadd.s32 s25, s28  }
0xc7: {  	v30 =	vld [tilespmem:s30+$0x3C00];
	v19 =	vmul.u32 v2, v19;
	v23 =	vadd.s32 v25, v23;
	v18 =	vadd.s32 s25, v18  }
0xc8: {  	v31 =	vld [tilespmem:s30+$0x3C80];
	v20 =	vmul.u32 v3, v20;
	v23 =	vadd.s32 v26, v23;
	v17 =	vadd.s32 v17, v18  }
0xc9: {  	v59 =	vld [tilespmem:s30+$0x3D00];
	v58 =	vadd.s32 v27, v23;
	v18 =	vmul.u32 v4, v21;
	v17 =	vadd.s32 v19, v17  }
0xca: {  	v60 =	vld [tilespmem:s30+$0x3D80];
	v21 =	vadd.s32 v28, v58;
	v19 =	vmul.u32 v5, v22;
	v17 =	vadd.s32 v20, v17  }
0xcb: {  	v61 =	vmul.u32 v6, v24;
	v21 =	vadd.s32 v29, v21;
	v17 =	vadd.s32 v18, v17  }
0xcc: {  	v21 =	vadd.s32 v30, v21;
	v18 =	vmul.u32 v7, v25;
	v17 =	vadd.s32 v19, v17  }
0xcd: {  	v21 =	vadd.s32 v31, v21;
	v19 =	vmul.u32 v8, v26;
	v17 =	vadd.s32 v61, v17  }
0xce: {  	v62 =	vmul.u32 v9, v27;
	v21 =	vadd.s32 v59, v21;
	v17 =	vadd.s32 v18, v17  }
0xcf: {  	v21 =	vadd.s32 v60, v21;
	v18 =	vmul.u32 v10, v28;
	v17 =	vadd.s32 v19, v17  }
0xd0: {  	(xrf0) =	vadd.scan.msk.s32 $0xffff, v21;
	v19 =	vmul.u32 v11, v29;
	v17 =	vadd.s32 v62, v17  }
0xd1: {  	v63 =	vmul.u32 v12, v30;
	v17 =	vadd.s32 v18, v17  }
0xd2: {  	v18 =	vmul.u32 v13, v31;
	v17 =	vadd.s32 v19, v17  }
0xd3: {  	v19 =	vmul.u32 v14, v59;
	v17 =	vadd.s32 v63, v17  }
0xd4: {  	v17 =	vadd.s32 v18, v17  }
0xd5: {  	v17 =	vadd.s32 v19, v17  }
0xd6: {  	v18, _, _ =	vpop (xrf0);
	v17 =	vsub.s32 v17, v21  }
0xd7: {  	s29 =	sadd.s32 $0x10, s26;
	v17 =	vadd.s32 v18, v17  }
0xd8: {  	[tilespmem:s29+$0x0] =	vst v17  }
0xd9: {  	(v2sf) =	vpush v18, $0xF;
	[tilespmem:$0x3100] =	vst v15  }
0xda: {  	[tilespmem:$0x3110] =	vst v15  }
0xdb: {  	[tilespmem:$0x3120] =	vst v15  }
0xdc: {  	[tilespmem:$0x3130] =	vst v15  }
0xdd: {  	[tilespmem:$0x3140] =	vst v15  }
0xde: {  	[tilespmem:$0x3150] =	vst v15  }
0xdf: {  	[tilespmem:$0x3160] =	vst v15  }
0xe0: {  	[tilespmem:$0x3170] =	vst v15  }
0xe1: {  	[tilespmem:$0x3180] =	vst v15  }
0xe2: {  	[tilespmem:$0x3190] =	vst v15  }
0xe3: {  	[tilespmem:$0x31A0] =	vst v15  }
0xe4: {  	[tilespmem:$0x31B0] =	vst v15  }
0xe5: {  	[tilespmem:$0x31C0] =	vst v15  }
0xe6: {  	[tilespmem:$0x31D0] =	vst v15  }
0xe7: {  	s30 =	sshll.u32 s24, $0x3;
	[tilespmem:$0x31E0] =	vst v15  }
0xe8: {  	s25 =	simm.s32 $0x0;
	v17 =	vmov s30;
	[tilespmem:$0x31F0] =	vst v15;
	s31 =	spop (v2sf)  }
.LBB2_11:
0xe9: {  	s26 =	sshra.s32 s25, $0x2  }
0xea: {  	v18 =	vld [tilespmem:s26+$0x800];
	_ =	sdelay $0x4  }
0xeb: {  	v18 =	vshrl.u32 v18, v17  }
0xec: {  	v18 =	vand.u32 $0xFF, v18;
	_ =	sdelay $0x2  }
0xed: {  	v19 =	vld [tilespmem:s26+$0x2800]  }
0xee: {  	v20 =	vld [tilespmem:s26+$0x2000]  }
0xef: {  	v21 =	vld.idx.msk [tilespmem:v18+s16+$0x0], $0xffff  }
0xf0: {  	v22 =	vld.idx.msk [tilespmem:v18+s20+$0x0], $0xffff;
	_ =	sdelay $0x1  }
0xf1: {  	vm0 =	veq.s32 v19, $0x1;
	_ =	sdelay $0x1  }
0xf2: {  	v19 =	vadd.s32 v21, v20  }
0xf3: {  	v19 =	vadd.s32 v22, v19  }
0xf4: {  	v19 =	vadd.s32 $0xFFFFFFFF, v19  }
0xf5: {  	[tilespmem:s26+$0x1800] =	vst v19  }
0xf6: {  	[tilespmem:v18+s16+$0x0] =	vst.idx.add.s32.msk vm0, v20  }
0xf7: {  	v18 =	vld [tilespmem:s26+$0x810];
	_ =	sdelay $0x4  }
0xf8: {  	v18 =	vshrl.u32 v18, v17  }
0xf9: {  	v18 =	vand.u32 $0xFF, v18;
	_ =	sdelay $0x2  }
0xfa: {  	v19 =	vld [tilespmem:s26+$0x2810]  }
0xfb: {  	v20 =	vld [tilespmem:s26+$0x2010]  }
0xfc: {  	v58 =	vld.idx.msk [tilespmem:v18+s16+$0x0], $0xffff  }
0xfd: {  	v59 =	vld.idx.msk [tilespmem:v18+s20+$0x0], $0xffff;
	_ =	sdelay $0x1  }
0xfe: {  	vm13 =	veq.s32 v19, $0x1;
	_ =	sdelay $0x1  }
0xff: {  	v19 =	vadd.s32 v58, v20  }
0x100: {  	v19 =	vadd.s32 v59, v19  }
0x101: {  	v19 =	vadd.s32 $0xFFFFFFFF, v19  }
0x102: {  	[tilespmem:s26+$0x1810] =	vst v19  }
0x103: {  	[tilespmem:v18+s16+$0x0] =	vst.idx.add.s32.msk vm13, v20  }
0x104: {  	v18 =	vld [tilespmem:s26+$0x820];
	_ =	sdelay $0x4  }
0x105: {  	v18 =	vshrl.u32 v18, v17  }
0x106: {  	v18 =	vand.u32 $0xFF, v18;
	_ =	sdelay $0x2  }
0x107: {  	v19 =	vld [tilespmem:s26+$0x2820]  }
0x108: {  	v20 =	vld [tilespmem:s26+$0x2020]  }
0x109: {  	v60 =	vld.idx.msk [tilespmem:v18+s16+$0x0], $0xffff  }
0x10a: {  	v61 =	vld.idx.msk [tilespmem:v18+s20+$0x0], $0xffff;
	_ =	sdelay $0x1  }
0x10b: {  	vm14 =	veq.s32 v19, $0x1;
	_ =	sdelay $0x1  }
0x10c: {  	v19 =	vadd.s32 v60, v20  }
0x10d: {  	v19 =	vadd.s32 v61, v19  }
0x10e: {  	v19 =	vadd.s32 $0xFFFFFFFF, v19  }
0x10f: {  	[tilespmem:s26+$0x1820] =	vst v19  }
0x110: {  	[tilespmem:v18+s16+$0x0] =	vst.idx.add.s32.msk vm14, v20  }
0x111: {  	v18 =	vld [tilespmem:s26+$0x830];
	_ =	sdelay $0x4  }
0x112: {  	v18 =	vshrl.u32 v18, v17  }
0x113: {  	v18 =	vand.u32 $0xFF, v18;
	_ =	sdelay $0x2  }
0x114: {  	v19 =	vld [tilespmem:s26+$0x2830]  }
0x115: {  	v20 =	vld [tilespmem:s26+$0x2030]  }
0x116: {  	v62 =	vld.idx.msk [tilespmem:v18+s16+$0x0], $0xffff  }
0x117: {  	v63 =	vld.idx.msk [tilespmem:v18+s20+$0x0], $0xffff;
	_ =	sdelay $0x1  }
0x118: {  	vm15 =	veq.s32 v19, $0x1  }
0x119: {  	p2 =	sne.s32 s25, $0x1F00  }
.Ltmp5:
0x11a: {  	v19 =	vadd.s32 v62, v20;
	(pc) =	sbr.rel @p2 .LBB2_11-.Ltmp5, $4  }
0x11b: {  	v19 =	vadd.s32 v63, v19  }
0x11c: {  	v19 =	vadd.s32 $0xFFFFFFFF, v19  }
0x11d: {  	[tilespmem:s26+$0x1830] =	vst v19  }
0x11e: {  	s25 =	sadd.s32 $0x100, s25;
	[tilespmem:v18+s16+$0x0] =	vst.idx.add.s32.msk vm15, v20  }
0x11f: {  	s25 =	sand.u32 $0x1, s24  }
0x120: {  	p2 =	seq.s32 s25, $0x1;
	s25 =	smov.u32 s4  }
0x121: {  	s25 =	smov.u32 @p2 s6  }
0x122: {  	[spmem:s25] =	stream.indirect.scatter [tilespmem:s22], [sflag:$0x1], $0x1, s21, s22, $0xb8;
	[tilespmem:$0x7B00] =	vst v63  }
0x123: {  	_ =	swait.ge [sflag:s13], $0x800  }
0x124: {  	s24 =	sadd.s32 $0x1, s24;
	s25 =	smov.u32 s5;
	[sflag:s13] =	ssyncset.done $0x0  }
0x125: {  	s25 =	smov.u32 @p2 s8;
	p2 =	sne.s32 s24, $0x4;
	[sflag:s13] =	ssyncadd.s32 $0xFFFFF800  }
0x126: {  	[spmem:s25] =	stream.indirect.scatter [tilespmem:s23], [sflag:$0x1], $0x1, s21, s22, $0xb8;
	[tilespmem:$0x7B00] =	vst v63  }
.Ltmp6:
0x127: {  	_ =	swait.ge [sflag:s13], $0x800;
	(pc) =	sbr.rel @p2 .LBB2_1-.Ltmp6, $3  }
0x128: {  	[sflag:s13] =	ssyncset.done $0x0  }
0x129: {  	[sflag:s13] =	ssyncadd.s32 $0xFFFFF800  }
0x12a: {  	[bflag:$0x0] =	sbarrier.arrive $0xFFFF;
	_ =	sdelay $0x1  }
.Ltmp7:
0x12b: {  	(pc) =	sbr.rel @p1 .LBB2_17-.Ltmp7, $1  }
0x12c: {  	_ =	sdelay $0x3  }
0x12d: {  	s4 =	simm.s32 $0x1000;
	s5 =	simm.s32 $0x1  }
0x12e: {  	[tilespmem:s4], [sflag:$0x1] =	stream.linear.gather [spmem:s14], $0x800, $0x38;
	[tilespmem:$0x7B00] =	vst v63  }
0x12f: {  	_ =	swait.ge [sflag:s5], $0x800  }
0x130: {  	[sflag:s5] =	ssyncset.done $0x0  }
0x131: {  	s6 =	sadd.s32 s3, s7;
	s3 =	simm.s32 $0x0;
	[sflag:s5] =	ssyncadd.s32 $0xFFFFF800  }
0x132: {  	[hbm4b:s6+s3] =	stream.linear.scatter [tilespmem:s4], [sflag:$0x1], $0x800, $0x38;
	[tilespmem:$0x7B00] =	vst v63  }
0x133: {  	_ =	swait.ge [sflag:s5], $0x800  }
0x134: {  	v0 =	vlaneseq.u32;
	[sflag:s5] =	ssyncset.done $0x0  }
0x135: {  	s2 =	smul.u32 $0x300, s2;
	v0 =	vmul.u32 $0x3, v0;
	[sflag:s5] =	ssyncadd.s32 $0xFFFFF800  }
0x136: {  	v3 =	vld [tilespmem:s4+$0x0]  }
0x137: {  	s1 =	sadd.s32 s1, s2;
	s2 =	simm.s32 $0x4200;
	v1 =	vadd.s32 $0x1, v0;
	v2 =	vadd.s32 $0x2, v0;
	s5 =	simm.s32 $0x30  }
.LBB2_15:
0x138: {  	p1 =	sne.s32 s5, $0x17D0;
	v4 =	vadd.s32 s3, v0  }
0x139: {  	v5 =	vadd.s32 s3, v1  }
0x13a: {  	v6 =	vadd.s32 s3, v2;
	s3 =	smov.u32 s5  }
0x13b: {  	v3 =	vmul.u32 $0x3, v3;
	_ =	sdelay $0x1  }
.Ltmp8:
0x13c: {  	[tilespmem:v4+s2+$0x0] =	vst.idx.msk $0xffff, v3;
	v4 =	vadd.s32 $0x1, v3;
	(pc) =	sbr.rel @p1 .LBB2_15-.Ltmp8, $4  }
0x13d: {  	v3 =	vadd.s32 $0x2, v3;
	[tilespmem:v5+s2+$0x0] =	vst.idx.msk $0xffff, v4  }
0x13e: {  	s4 =	sadd.s32 $0x10, s4;
	[tilespmem:v6+s2+$0x0] =	vst.idx.msk $0xffff, v3  }
0x13f: {  	v3 =	vld [tilespmem:s4+$0x0]  }
0x140: {  	s5 =	sadd.s32 $0x30, s5  }
0x141: {  	v0 =	vadd.s32 s3, v0  }
0x142: {  	v1 =	vadd.s32 s3, v1  }
0x143: {  	v2 =	vadd.s32 s3, v2  }
0x144: {  	v3 =	vmul.u32 $0x3, v3;
	_ =	sdelay $0x1  }
0x145: {  	[tilespmem:v0+s2+$0x0] =	vst.idx.msk $0xffff, v3;
	v62 =	vadd.s32 $0x1, v3  }
0x146: {  	v63 =	vadd.s32 $0x2, v3;
	[tilespmem:v1+s2+$0x0] =	vst.idx.msk $0xffff, v62  }
0x147: {  	s29 =	simm.s32 $0x0;
	s30 =	simm.s32 $0x4200;
	s31 =	simm.s32 $0x1;
	[tilespmem:v2+s2+$0x0] =	vst.idx.msk $0xffff, v63  }
0x148: {  	[hbm4b:s1+s29] =	stream.linear.scatter [tilespmem:s30], [sflag:$0x1], $0x1800, $0x38;
	[tilespmem:$0x7B00] =	vst v63  }
0x149: {  	_ =	swait.ge [sflag:s31], $0x1800  }
0x14a: {  	[sflag:s31] =	ssyncset.done $0x0  }
0x14b: {  	[sflag:s31] =	ssyncadd.s32 $0xFFFFE800  }
.LBB2_17:
0x14c: {  	_ =	sfence.sel $0x180000  }
0x14d: {  	[bflag:$0x0] =	sbarrier.arrive $0xFFFF  }
0x14e: {  	_ =	strace $0x90000047  }
0x14f: {  	s0 =	sadd.s32 @!p0 $0x100000, s0;
	[bflag:$0x2] =	sbarrier.arrive $0xFFFF  }
0x150: {  	[sflag:s0] =	ssyncadd.tile.s32 @!p0 $0x1;
	_ =	shalt  }
.Lfunc_end2:
_tile_overlayer_lowered:
.L_overlay_start_2:
0x151: {  	(tag) =	ssettag $0x2  }
0x152: {  	s0 =	rddreg [dreg:$0x0];
	s2 =	stileid.u32  }
0x153: {  	s1 =	rddreg [dreg:$0x1];
	p0 =	sne.s32 s2, $0x0  }
0x154: {  	s3 =	rddreg [dreg:$0x2];
	[bflag:$0x3] =	sbarrier.arrive $0xFFFF;
	s2 =	simm.s32 @!p0 $0x1C01  }
0x155: {  	[timem:s3], [sflag:s2] =	dma.local @!p0 [hbm:s0], s1  }
0x156: {  	s0 =	simm.s32 @!p0 $0x1  }
0x157: {  	_ =	swait.ge @!p0 [sflag:s0], s1  }
0x158: {  	s1 =	ssub.s32 @!p0 $0x0, s1;
	[sflag:s0] =	ssyncset.done @!p0 $0x0  }
0x159: {  	[sflag:s0] =	ssyncadd.s32 @!p0 s1  }
0x15a: {  	[bflag:$0x3] =	sbarrier.arrive $0xFFFF  }
0x15b: {  	_ =	shalt  }

// kernel: kernel.8.cloned.1.call-start
scs
__scs_entry_jumppad:
0x0: {  	(pc) =	sbr.rel $0x88, $3  }
0x1: {  	(tag) =	ssettag $0x0;
	lr =	simm.s32 $0x1  }
0x2: {  	[smem:$0x3F9F] =	sst lr;
	_ =	strace $0xD0000000  }
0x3: {  	_ = 	snop  }
0x4: {  	_ = 	snop  }
0x5: {  	_ = 	snop  }
0x6: {  	_ = 	snop  }
0x7: {  	_ = 	snop  }
__scs_overlays_trampoline_lowered:
0x8: {  	[smem:$0x3FAE] =	sst s0  }
0x9: {  	[smem:$0x3FAF] =	sst s1  }
0xa: {  	[smem:$0x3FB0] =	sst s2  }
0xb: {  	[smem:$0x3FB1] =	sst s3  }
0xc: {  	[smem:$0x3FB2] =	sst s4  }
0xd: {  	[smem:$0x3FB3] =	sst s5  }
0xe: {  	[smem:$0x3FB4] =	sst s6  }
0xf: {  	[smem:$0x3FB5] =	sst s7  }
0x10: {  	[smem:$0x3FB6] =	sst s8  }
0x11: {  	[smem:$0x3FB7] =	sst s9;
	s0 =	simm.s32 @!p0 $0x0  }
0x12: {  	s1 =	sld [smem:$0x3F9D];
	s0 =	simm.s32 @p0 $0x1  }
0x13: {  	[smem:$0x3FB8] =	sst s0;
	s0 =	simm.s32 @!p1 $0x0  }
0x14: {  	s2 =	sld [smem:$0x3F9C];
	s0 =	simm.s32 @p1 $0x1  }
0x15: {  	[smem:$0x3FB9] =	sst s0;
	s0 =	simm.s32 @!p2 $0x0  }
0x16: {  	s3 =	sld [smem:$0x3FDB];
	s0 =	simm.s32 @p2 $0x1  }
0x17: {  	s4 =	simm.s32 $0x1BF5;
	[smem:$0x3FBB] =	sst s0  }
0x18: {  	s0 =	sld [smem:$0x3F9E];
	_ =	swait.ge [sflag:s4], $0x0  }
0x19: {  	s7 =	sld [smem:$0x3F9F]  }
0x1a: {  	s8 =	sadd.s32 $0xFFFFE003, lr  }
0x1b: {  	s9 =	sadd.s32 $0xFFFFFEF7, lr;
	s5 =	simm.s32 $0xFFFFFFFF;
	p2 =	slt.u32 s8, $0xFFFFF086  }
0x1c: {  	p1 =	slt.u32 s9, $0xF7A;
	s5 =	simm.s32 @!p2 $0x0  }
0x1d: {  	s5 =	simm.s32 @p1 $0x1;
	p0 =	seq.s32 s7, s2  }
0x1e: {  	s7 =	smul.u32 @!p0 $0xF7A, s2;
	p2 =	seq.s32 @!p0 s5, $0x0  }
0x1f: {  	s9 =	smul.u32 $0xF7A, s1;
	s8 =	simm.s32 @!p0 $0x1BF5;
	p2 =	por !p2, p0  }
0x20: {  	[sflag:s8] =	ssyncset.s32 @!p0 $0xFFFFF086;
	s6 =	sadd.s32 @!p0 s3, s7;
	s7 =	simm.s32 @!p0 $0x108  }
0x21: {  	s3 =	sadd.s32 s3, s9;
	s6 =	sadd.s32 @!p0 $0x88, s6;
	s7 =	simm.s32 @p2 $0x1082  }
0x22: {  	[simem:s7], [sflag:s8] =	dma.local @!p0 [hbm:s6], $0xF7A  }
0x23: {  	s9 =	sor.u32 $0xD0000000, s2;
	s6 =	simm.s32 $0x108;
	_ =	swait.ge @!p0 [sflag:s8], $0x0  }
0x24: {  	s3 =	sadd.s32 $0x88, s3;
	s6 =	simm.s32 @!p1 $0x1082;
	[sflag:s4] =	ssyncset.s32 $0xFFFFF086  }
0x25: {  	[simem:s6], [sflag:s4] =	dma.local [hbm:s3], $0xF7A  }
0x26: {  	[smem:$0x3F9F] =	sst s1;
	(tag) =	ssettag s2;
	_ =	strace s9  }
0x27: {  	s1 =	sld [smem:$0x3FAF]  }
0x28: {  	s2 =	sld [smem:$0x3FB0]  }
0x29: {  	s4 =	sld [smem:$0x3FB2]  }
0x2a: {  	p0 =	seq.s32 s5, $0x0;
	s5 =	sld [smem:$0x3FB3]  }
0x2b: {  	s6 =	sld [smem:$0x3FB4]  }
0x2c: {  	s7 =	sld [smem:$0x3FB5]  }
0x2d: {  	s3 =	simm.s32 $0x108;
	s8 =	sld [smem:$0x3FB6]  }
0x2e: {  	s3 =	simm.s32 @!p0 $0x1082;
	s9 =	sld [smem:$0x3FB7]  }
0x2f: {  	lr =	sadd.s32 s0, s3;
	s0 =	sld [smem:$0x3FAE]  }
0x30: {  	s3 =	sld [smem:$0x3FB1]  }
0x31: {  	[smem:$0x3FBA] =	sst s10  }
0x32: {  	s10 =	sld [smem:$0x3FB8];
	_ =	sdelay $0x3  }
0x33: {  	p0 =	seq.s32 s10, $0x1;
	s10 =	sld [smem:$0x3FBA];
	_ =	sdelay $0x3  }
0x34: {  	[smem:$0x3FBA] =	sst s10  }
0x35: {  	s10 =	sld [smem:$0x3FB9];
	_ =	sdelay $0x3  }
0x36: {  	p1 =	seq.s32 s10, $0x1;
	s10 =	sld [smem:$0x3FBA];
	_ =	sdelay $0x3  }
0x37: {  	[smem:$0x3FBA] =	sst s10  }
0x38: {  	s10 =	sld [smem:$0x3FBB]  }
0x39: {  	_ = 	snop;
	(pc) =	sbr.ind lr, $3  }
0x3a: {  	_ = 	snop  }
0x3b: {  	_ = 	snop  }
0x3c: {  	p2 =	seq.s32 s10, $0x1;
	s10 =	sld [smem:$0x3FBA]  }
0x3d: {  	_ =	shalt  }
0x3e: {  	_ =	shalt  }
0x3f: {  	_ =	shalt  }
0x40: {  	_ =	shalt  }
0x41: {  	_ =	shalt  }
0x42: {  	_ =	shalt  }
0x43: {  	_ =	shalt  }
0x44: {  	_ =	shalt  }
0x45: {  	_ =	shalt  }
0x46: {  	_ =	shalt  }
0x47: {  	_ =	shalt  }
0x48: {  	_ =	shalt  }
0x49: {  	_ =	shalt  }
0x4a: {  	_ =	shalt  }
0x4b: {  	_ =	shalt  }
0x4c: {  	_ =	shalt  }
0x4d: {  	_ =	shalt  }
0x4e: {  	_ =	shalt  }
0x4f: {  	_ =	shalt  }
0x50: {  	_ =	shalt  }
0x51: {  	_ =	shalt  }
0x52: {  	_ =	shalt  }
0x53: {  	_ =	shalt  }
0x54: {  	_ =	shalt  }
0x55: {  	_ =	shalt  }
0x56: {  	_ =	shalt  }
0x57: {  	_ =	shalt  }
0x58: {  	_ =	shalt  }
0x59: {  	_ =	shalt  }
0x5a: {  	_ =	shalt  }
0x5b: {  	_ =	shalt  }
0x5c: {  	_ =	shalt  }
0x5d: {  	_ =	shalt  }
0x5e: {  	_ =	shalt  }
0x5f: {  	_ =	shalt  }
0x60: {  	_ =	shalt  }
0x61: {  	_ =	shalt  }
0x62: {  	_ =	shalt  }
0x63: {  	_ =	shalt  }
0x64: {  	_ =	shalt  }
0x65: {  	_ =	shalt  }
0x66: {  	_ =	shalt  }
0x67: {  	_ =	shalt  }
0x68: {  	_ =	shalt  }
0x69: {  	_ =	shalt  }
0x6a: {  	_ =	shalt  }
0x6b: {  	_ =	shalt  }
0x6c: {  	_ =	shalt  }
0x6d: {  	_ =	shalt  }
0x6e: {  	_ =	shalt  }
0x6f: {  	_ =	shalt  }
0x70: {  	_ =	shalt  }
0x71: {  	_ =	shalt  }
0x72: {  	_ =	shalt  }
0x73: {  	_ =	shalt  }
0x74: {  	_ =	shalt  }
0x75: {  	_ =	shalt  }
0x76: {  	_ =	shalt  }
0x77: {  	_ =	shalt  }
0x78: {  	_ =	shalt  }
0x79: {  	_ =	shalt  }
0x7a: {  	_ =	shalt  }
0x7b: {  	_ =	shalt  }
0x7c: {  	_ =	shalt  }
0x7d: {  	_ =	shalt  }
0x7e: {  	_ =	shalt  }
0x7f: {  	_ =	shalt  }
0x80: {  	_ =	shalt  }
0x81: {  	_ =	shalt  }
0x82: {  	_ =	shalt  }
0x83: {  	_ =	shalt  }
0x84: {  	_ =	shalt  }
0x85: {  	_ =	shalt  }
0x86: {  	_ =	shalt  }
0x87: {  	_ =	shalt  }
.Lfunc_end0:
.L_simem_size_0:
called_computation.1_lowered:
.L_overlay_start_0:
0x88: {  	s2 =	sld [smem:$0x3FD9]  }
0x89: {  	s3 =	sld [smem:$0x3FFE];
	_ =	sdelay $0x1  }
0x8a: {  	s1 =	srdreg.scid  }
0x8b: {  	s0 =	sand.u32 $0x1, s1  }
0x8c: {  	s14 =	sshll.u32 s0, $0xA;
	s2 =	sadd.s32 s3, s2  }
0x8d: {  	s2 =	sadd.s32 s2, s14  }
0x8e: {  	[smem:$0x3FC6] =	sst s2  }
0x8f: {  	_ = 	snop  }
0x90: {  	s2 =	sld [smem:$0x3FD0];
	_ =	sdelay $0x2  }
0x91: {  	s4 =	simm.s32 $0xA;
	s5 =	simm.s32 $0x10;
	s15 =	sld [smem:$0x3FC8]  }
0x92: {  	[smem:s5], [sflag:s4] =	dma.local [hbm:s2], $0x1  }
0x93: {  	_ =	swait.eq [sflag:s4], $0x1  }
0x94: {  	[sflag:s4] =	ssyncset.done $0x0  }
0x95: {  	s16 =	sld [smem:$0x10];
	[sflag:s4] =	ssyncadd.s32 $0xFFFFFFFF  }
0x96: {  	s17 =	sld [smem:$0x11];
	(tm) =	ssettm $0x1  }
0x97: {  	s18 =	sld [smem:$0x3FFB];
	_ =	sdelay $0x3  }
0x98: {  	_ =	strace s18  }
0x99: {  	s5 =	sld [smem:$0x3FFC];
	_ =	sdelay $0x3  }
0x9a: {  	_ =	strace s5  }
0x9b: {  	s5 =	sld [smem:$0x3FFD];
	_ =	sdelay $0x3  }
0x9c: {  	_ =	strace s5  }
0x9d: {  	_ =	strace $0x8FFFFFFF  }
0x9e: {  	s19 =	sld [smem:$0x3FDB];
	_ =	sdelay $0x1  }
0x9f: {  	s6 =	simm.s32 $_scs_section_size  }
0xa0: {  	s7 =	simm.s32 $_size__tile_overlayer_lowered;
	s8 =	simm.s32 $_tile_overlayer_lowered  }
0xa1: {  	s22 =	simm.s32 $0x1BFF;
	s21 =	sshll.u32 s8, $0x1;
	s5 =	sadd.s32 s6, s19  }
0xa2: {  	s9 =	simm.s32 $0x0;
	s20 =	sshll.u32 s7, $0x1;
	s7 =	sadd.s32 s21, s5  }
0xa3: {  	[timem:s9], [sflag:s22] =	dma.local [hbm:s7], s20  }
0xa4: {  	_ =	swait.ge [sflag:s22], s20  }
0xa5: {  	s6 =	ssub.s32 $0x0, s20;
	[sflag:s22] =	ssyncset.done $0x0  }
0xa6: {  	[sflag:s22] =	ssyncadd.s32 s6;
	_ =	sdelay $0x1  }
0xa7: {  	s23 =	simm.s32 $0x1B8B  }
0xa8: {  	_ =	swait.ge [sflag:s23], $0x1  }
0xa9: {  	[sflag:s23] =	ssyncset.done $0x0  }
0xaa: {  	s25 =	simm.s32 $0x1B8E;
	s24 =	sld [smem:$0x3FFE];
	[sflag:s23] =	ssyncadd.s32 $0xFFFFFFFF  }
0xab: {  	s26 =	simm.s32 $execute0_lowered;
	[smem:$0x3FD2] =	sst s25  }
0xac: {  	s7 =	sshll.u32 s26, $0x1;
	_ =	strace $0x80000049;
	[dreg:$0x1] =	wrdreg $0xFFFFFFFF  }
0xad: {  	s28 =	simm.s32 $_size_execute0_lowered;
	s5 =	sadd.s32 s5, s7;
	[dreg:$0x0] =	wrdreg $0x0  }
0xae: {  	s7 =	sshll.u32 s28, $0x1;
	[dreg:$0x2] =	wrdreg s5  }
0xaf: {  	[dreg:$0x3] =	wrdreg s7  }
0xb0: {  	[dreg:$0x4] =	wrdreg $0xC0  }
0xb1: {  	_ =	task [dreg:s9], $0x5FFFF  }
0xb2: {  	[dreg:$0x1] =	wrdreg $0xFFFFFFFF  }
0xb3: {  	[dreg:$0x0] =	wrdreg $0x60  }
0xb4: {  	[dreg:$0x2] =	wrdreg s24  }
0xb5: {  	[dreg:$0x3] =	wrdreg s15  }
0xb6: {  	[dreg:$0x4] =	wrdreg s16  }
0xb7: {  	[dreg:$0x5] =	wrdreg s17  }
0xb8: {  	[dreg:$0x6] =	wrdreg $0x9  }
0xb9: {  	_ =	task.clear_ibuf [dreg:s9], $0x7FFFF;
	_ =	strace $0x90000049  }
0xba: {  	s29 =	simm.s32 $0x9;
	_ =	strace $0x8000004B  }
0xbb: {  	_ =	swait.ge [sflag:s29], $0x1  }
0xbc: {  	[sflag:s29] =	ssyncadd.s32 $0xFFFFFFFF  }
0xbd: {  	_ =	strace $0x9000004B  }
0xbe: {  	_ =	sfence  }
0xbf: {  	s30 =	sld [smem:$0x0];
	_ =	sdelay $0x2  }
0xc0: {  	s31 =	sshll.u32 s1, $0xD;
	s1 =	sshrl.u32 s1, $0x2  }
0xc1: {  	s3 =	sand.u32 $0x4000, s31;
	s1 =	sadd.s32 s1, s30  }
0xc2: {  	s0 =	sor.u32 s3, s0;
	s1 =	sshll.u32 s1, $0x11  }
0xc3: {  	s0 =	sor.u32 s1, s0  }
0xc4: {  	s0 =	sadd.s32 $0x8F2B, s0  }
0xc5: {  	[sflag:s0] =	ssyncadd.remote.s32 $0x1  }
0xc6: {  	_ =	sfence.sel $0xFFFF  }
0xc7: {  	[dreg:$0x0] =	wrdreg $0xFFFFFFFF;
	(pc) =	sbr.abs _section_cstart, $3  }
0xc8: {  	[dreg:$0x1] =	wrdreg $0xFFFFFFFF  }
0xc9: {  	_ =	task.clear_ibuf [dreg:s9], $0x2FFFF;
	_ =	strace $0x9FFFFFFF  }
0xca: {  	(tm) =	ssettm $0x7FFFFFFF  }
0xcb: {  	_ =	shalt  }
tec
execute0_lowered:
.L_overlay_start_1:
0x0: {  	(tag) =	ssettag $0x1  }
0x1: {  	s2 =	rddreg [dreg:$0x0]  }
0x2: {  	s1 =	rddreg [dreg:$0x1]  }
0x3: {  	s4 =	rddreg [dreg:$0x2]  }
0x4: {  	s3 =	srdreg.scid;
	s0 =	stileid.u32  }
0x5: {  	s5 =	rddreg [dreg:$0x3];
	s15 =	simm.s32 $0x300;
	s16 =	simm.s32 $0xF00  }
0x6: {  	s18 =	simm.s32 $0x1700;
	s6 =	sand.u32 $0x1, s3;
	s3 =	simm.s32 $0x0  }
0x7: {  	s20 =	simm.s32 $0x1F00;
	s10 =	sadd.s32 $0x2400, s2;
	[smem:$0x7FF] =	sst s3  }
0x8: {  	s21 =	simm.s32 $0x2700;
	_ =	strace $0x8000004A;
	[dreg:$0x5] =	wrdreg s10  }
0x9: {  	s22 =	simm.s32 $0x2F00;
	s23 =	simm.s32 $0x3700;
	[dreg:$0xa] =	wrdreg s15  }
0xa: {  	s24 =	simm.s32 $0x3F00;
	s25 =	simm.s32 $0x4700;
	[dreg:$0xb] =	wrdreg s16  }
0xb: {  	s26 =	simm.s32 $0x4F00;
	s11 =	simm.s32 $0x5F00;
	[dreg:$0xc] =	wrdreg s18  }
0xc: {  	s28 =	simm.s32 $0xDF00;
	s29 =	simm.s32 $0xE700;
	[dreg:$0xd] =	wrdreg s20  }
0xd: {  	s30 =	simm.s32 $0xEF00;
	s7 =	sshll.u32 s0, $0x1;
	[dreg:$0xe] =	wrdreg s21  }
0xe: {  	s31 =	simm.s32 $0xF700;
	s7 =	sor.u32 s6, s7;
	[dreg:$0xf] =	wrdreg s22  }
0xf: {  	s17 =	ssub.s32 $0x2, s6;
	s6 =	simm.s32 $0x100;
	[dreg:$0x10] =	wrdreg s23  }
0x10: {  	s8 =	sshll.u32 s7, $0x5;
	s9 =	smul.u32 $0x60, s7;
	[dreg:$0x11] =	wrdreg s24  }
0x11: {  	s13 =	sshll.u32 s7, $0xD;
	s19 =	sshrl.u32 s17, $0x1;
	[dreg:$0x12] =	wrdreg s25  }
0x12: {  	s7 =	simm.s32 $0x400;
	[dreg:$0x13] =	wrdreg s26;
	s15 =	simm.s32 $0x7F00  }
0x13: {  	s16 =	simm.s32 $0x8700;
	s18 =	simm.s32 $0x9700;
	s20 =	simm.s32 $0xA700  }
0x14: {  	s21 =	simm.s32 $0xAF00;
	s22 =	simm.s32 $0xB700;
	s23 =	simm.s32 $0xBF00  }
0x15: {  	s24 =	simm.s32 $0xC700;
	s25 =	simm.s32 $0xCF00;
	s26 =	simm.s32 $0xD700  }
0x16: {  	s8 =	sadd.s32 s8, s2;
	s14 =	sadd.s32 s5, s13;
	s5 =	simm.s32 $0x2  }
0x17: {  	s13 =	simm.s32 $0x6F00;
	s2 =	sadd.s32 s9, s2;
	s8 =	sadd.s32 $0x1400, s8  }
0x18: {  	s12 =	sadd.s32 s4, s9;
	[dreg:$0x9] =	wrdreg s14;
	s4 =	ssub.s32 s17, s19  }
0x19: {  	s9 =	simm.s32 $0x700;
	s14 =	simm.s32 $0x7700;
	s17 =	simm.s32 $0x8F00  }
0x1a: {  	v2 =	vlaneseq.u32;
	s19 =	simm.s32 $0x9F00;
	[dreg:$0x6] =	wrdreg s8;
	s2 =	sadd.s32 $0x1800, s2  }
0x1b: {  	vm0 =	vmmov $0xffff;
	v1 =	vshrl.u32 v2, $0x3;
	[dreg:$0x8] =	wrdreg s12;
	s4 =	smax.u32 s4, $0x1;
	s8 =	simm.s32 $0x1  }
0x1c: {  	v0 =	vand.u32 $0x7, v2;
	v2 =	vor.u32 $0x8, v2;
	v1 =	vmul.u32 $0x8, v1;
	s12 =	simm.s32 $0x6700;
	[dreg:$0x7] =	wrdreg s2;
	s2 =	simm.s32 $0xFF00  }
.LBB2_1:
0x1d: {  	s0 =	rddreg [dreg:$0x6]  }
0x1e: {  	[tilespmem:s3], [sflag:$0x2] =	stream.linear.gather [hbm4b:s0+s3], $0x100, $0x38;
	[tilespmem:$0x10700] =	vst v63  }
0x1f: {  	_ =	swait.ge [sflag:s5], $0x100  }
0x20: {  	[sflag:s5] =	ssyncset.done $0x0  }
0x21: {  	s10 =	rddreg [dreg:$0x7];
	[sflag:s5] =	ssyncadd.s32 $0xFFFFFF00  }
0x22: {  	[tilespmem:s6], [sflag:$0x2] =	stream.linear.gather [hbm4b:s10+s3], $0x300, $0x38;
	[tilespmem:$0x10700] =	vst v63  }
0x23: {  	_ =	swait.ge [sflag:s5], $0x300  }
0x24: {  	s0 =	rddreg [dreg:$0x5];
	[sflag:s5] =	ssyncset.done $0x0  }
0x25: {  	s10 =	rddreg [dreg:$0xa];
	[sflag:s5] =	ssyncadd.s32 $0xFFFFFD00  }
0x26: {  	[tilespmem:s7], [sflag:$0x1] =	stream.indirect.gather [hbm4b:s0+s10], $0x1, s6, s10, $0xb8;
	[tilespmem:$0x10700] =	vst v63  }
0x27: {  	_ =	swait.ge [sflag:s8], $0x300  }
0x28: {  	[sflag:s8] =	ssyncset.done $0x0  }
0x29: {  	s10 =	rddreg [dreg:$0x8];
	[sflag:s8] =	ssyncadd.s32 $0xFFFFFD00  }
0x2a: {  	[hbm4b:s10+s3] =	stream.linear.scatter [tilespmem:s7], [sflag:$0x2], $0x300, $0x38;
	[tilespmem:$0x10700] =	vst v63  }
0x2b: {  	_ =	swait.ge [sflag:s5], $0x300  }
0x2c: {  	[sflag:s5] =	ssyncset.done $0x0  }
0x2d: {  	[sflag:s5] =	ssyncadd.s32 $0xFFFFFD00  }
0x2e: {  	v3 =	vld [tilespmem:$0x0];
	_ =	sdelay $0x4  }
0x2f: {  	v4 =	vshll.u32 v3, $0x1  }
0x30: {  	v3 =	vand.u32 $0x7, v3;
	v4 =	vand.u32 $0xFFFFFFF0, v4  }
0x31: {  	v3 =	vor.u32 v3, v4  }
0x32: {  	v4 =	vperm.xlane v3, v0;
	_ =	sdelay $0x1  }
0x33: {  	v3 =	vperm.xlane v3, v2;
	v4 =	vadd.s32 v1, v4;
	_ =	sdelay $0x1  }
0x34: {  	v3 =	vadd.s32 v1, v3;
	_ =	sdelay $0x2  }
0x35: {  	[tilespmem:s9], [sflag:$0x1] =	stream.indirect_vreg.gather [hbm4b:s1+s3], $0x80, v4, vm0, $0xb8;
	[tilespmem:$0x10700] =	vst v63  }
0x36: {  	s10 =	rddreg [dreg:$0xb]  }
0x37: {  	[tilespmem:s10], [sflag:$0x1] =	stream.indirect_vreg.gather [hbm4b:s1+s3], $0x80, v3, vm0, $0xb8;
	[tilespmem:$0x10700] =	vst v63  }
0x38: {  	v3 =	vld [tilespmem:$0x10];
	_ =	sdelay $0x4  }
0x39: {  	v49 =	vshll.u32 v3, $0x1  }
0x3a: {  	v3 =	vand.u32 $0x7, v3;
	v4 =	vand.u32 $0xFFFFFFF0, v49  }
0x3b: {  	v3 =	vor.u32 v3, v4  }
0x3c: {  	v4 =	vperm.xlane v3, v0;
	_ =	sdelay $0x1  }
0x3d: {  	v3 =	vperm.xlane v3, v2;
	v4 =	vadd.s32 v1, v4;
	_ =	sdelay $0x1  }
0x3e: {  	v3 =	vadd.s32 v1, v3;
	_ =	sdelay $0x1  }
0x3f: {  	s0 =	rddreg [dreg:$0xc]  }
0x40: {  	[tilespmem:s0], [sflag:$0x1] =	stream.indirect_vreg.gather [hbm4b:s1+s3], $0x80, v4, vm0, $0xb8;
	[tilespmem:$0x10700] =	vst v63  }
0x41: {  	s10 =	rddreg [dreg:$0xd]  }
0x42: {  	[tilespmem:s10], [sflag:$0x1] =	stream.indirect_vreg.gather [hbm4b:s1+s3], $0x80, v3, vm0, $0xb8;
	[tilespmem:$0x10700] =	vst v63  }
0x43: {  	v3 =	vld [tilespmem:$0x20];
	_ =	sdelay $0x4  }
0x44: {  	v50 =	vshll.u32 v3, $0x1  }
0x45: {  	v3 =	vand.u32 $0x7, v3;
	v4 =	vand.u32 $0xFFFFFFF0, v50  }
0x46: {  	v3 =	vor.u32 v3, v4  }
0x47: {  	v4 =	vperm.xlane v3, v0;
	_ =	sdelay $0x1  }
0x48: {  	v3 =	vperm.xlane v3, v2;
	v4 =	vadd.s32 v1, v4;
	_ =	sdelay $0x1  }
0x49: {  	v3 =	vadd.s32 v1, v3;
	_ =	sdelay $0x1  }
0x4a: {  	s0 =	rddreg [dreg:$0xe]  }
0x4b: {  	[tilespmem:s0], [sflag:$0x1] =	stream.indirect_vreg.gather [hbm4b:s1+s3], $0x80, v4, vm0, $0xb8;
	[tilespmem:$0x10700] =	vst v63  }
0x4c: {  	s10 =	rddreg [dreg:$0xf]  }
0x4d: {  	[tilespmem:s10], [sflag:$0x1] =	stream.indirect_vreg.gather [hbm4b:s1+s3], $0x80, v3, vm0, $0xb8;
	[tilespmem:$0x10700] =	vst v63  }
0x4e: {  	v3 =	vld [tilespmem:$0x30];
	_ =	sdelay $0x4  }
0x4f: {  	v51 =	vshll.u32 v3, $0x1  }
0x50: {  	v3 =	vand.u32 $0x7, v3;
	v4 =	vand.u32 $0xFFFFFFF0, v51  }
0x51: {  	v3 =	vor.u32 v3, v4  }
0x52: {  	v4 =	vperm.xlane v3, v0;
	_ =	sdelay $0x1  }
0x53: {  	v3 =	vperm.xlane v3, v2;
	v4 =	vadd.s32 v1, v4;
	_ =	sdelay $0x1  }
0x54: {  	v3 =	vadd.s32 v1, v3;
	_ =	sdelay $0x1  }
0x55: {  	s0 =	rddreg [dreg:$0x10]  }
0x56: {  	[tilespmem:s0], [sflag:$0x1] =	stream.indirect_vreg.gather [hbm4b:s1+s3], $0x80, v4, vm0, $0xb8;
	[tilespmem:$0x10700] =	vst v63  }
0x57: {  	s10 =	rddreg [dreg:$0x11]  }
0x58: {  	[tilespmem:s10], [sflag:$0x1] =	stream.indirect_vreg.gather [hbm4b:s1+s3], $0x80, v3, vm0, $0xb8;
	[tilespmem:$0x10700] =	vst v63  }
0x59: {  	v3 =	vld [tilespmem:$0x40];
	_ =	sdelay $0x4  }
0x5a: {  	v52 =	vshll.u32 v3, $0x1  }
0x5b: {  	v3 =	vand.u32 $0x7, v3;
	v4 =	vand.u32 $0xFFFFFFF0, v52  }
0x5c: {  	v3 =	vor.u32 v3, v4  }
0x5d: {  	v4 =	vperm.xlane v3, v0;
	_ =	sdelay $0x1  }
0x5e: {  	v3 =	vperm.xlane v3, v2;
	v4 =	vadd.s32 v1, v4;
	_ =	sdelay $0x1  }
0x5f: {  	v3 =	vadd.s32 v1, v3;
	_ =	sdelay $0x1  }
0x60: {  	s0 =	rddreg [dreg:$0x12]  }
0x61: {  	[tilespmem:s0], [sflag:$0x1] =	stream.indirect_vreg.gather [hbm4b:s1+s3], $0x80, v4, vm0, $0xb8;
	[tilespmem:$0x10700] =	vst v63  }
0x62: {  	s10 =	rddreg [dreg:$0x13]  }
0x63: {  	[tilespmem:s10], [sflag:$0x1] =	stream.indirect_vreg.gather [hbm4b:s1+s3], $0x80, v3, vm0, $0xb8;
	[tilespmem:$0x10700] =	vst v63  }
0x64: {  	v3 =	vld [tilespmem:$0x50];
	_ =	sdelay $0x4  }
0x65: {  	v53 =	vshll.u32 v3, $0x1  }
0x66: {  	v3 =	vand.u32 $0x7, v3;
	v4 =	vand.u32 $0xFFFFFFF0, v53  }
0x67: {  	v3 =	vor.u32 v3, v4  }
0x68: {  	v4 =	vperm.xlane v3, v0;
	_ =	sdelay $0x1  }
0x69: {  	v3 =	vperm.xlane v3, v2;
	v4 =	vadd.s32 v1, v4;
	_ =	sdelay $0x1  }
0x6a: {  	v3 =	vadd.s32 v1, v3;
	_ =	sdelay $0x1  }
0x6b: {  	s10 =	simm.s32 $0x5700  }
0x6c: {  	[tilespmem:s10], [sflag:$0x1] =	stream.indirect_vreg.gather [hbm4b:s1+s3], $0x80, v4, vm0, $0xb8;
	[tilespmem:$0x10700] =	vst v63  }
0x6d: {  	_ = 	snop  }
0x6e: {  	[tilespmem:s11], [sflag:$0x1] =	stream.indirect_vreg.gather [hbm4b:s1+s3], $0x80, v3, vm0, $0xb8;
	[tilespmem:$0x10700] =	vst v63  }
0x6f: {  	v3 =	vld [tilespmem:$0x60];
	_ =	sdelay $0x4  }
0x70: {  	v54 =	vshll.u32 v3, $0x1  }
0x71: {  	v3 =	vand.u32 $0x7, v3;
	v4 =	vand.u32 $0xFFFFFFF0, v54  }
0x72: {  	v3 =	vor.u32 v3, v4  }
0x73: {  	v4 =	vperm.xlane v3, v0;
	_ =	sdelay $0x1  }
0x74: {  	v3 =	vperm.xlane v3, v2;
	v4 =	vadd.s32 v1, v4;
	_ =	sdelay $0x1  }
0x75: {  	v3 =	vadd.s32 v1, v3;
	_ =	sdelay $0x2  }
0x76: {  	[tilespmem:s12], [sflag:$0x1] =	stream.indirect_vreg.gather [hbm4b:s1+s3], $0x80, v4, vm0, $0xb8;
	[tilespmem:$0x10700] =	vst v63  }
0x77: {  	_ = 	snop  }
0x78: {  	[tilespmem:s13], [sflag:$0x1] =	stream.indirect_vreg.gather [hbm4b:s1+s3], $0x80, v3, vm0, $0xb8;
	[tilespmem:$0x10700] =	vst v63  }
0x79: {  	v3 =	vld [tilespmem:$0x70];
	_ =	sdelay $0x4  }
0x7a: {  	v55 =	vshll.u32 v3, $0x1  }
0x7b: {  	v3 =	vand.u32 $0x7, v3;
	v4 =	vand.u32 $0xFFFFFFF0, v55  }
0x7c: {  	v3 =	vor.u32 v3, v4  }
0x7d: {  	v4 =	vperm.xlane v3, v0;
	_ =	sdelay $0x1  }
0x7e: {  	v3 =	vperm.xlane v3, v2;
	v4 =	vadd.s32 v1, v4;
	_ =	sdelay $0x1  }
0x7f: {  	v3 =	vadd.s32 v1, v3;
	_ =	sdelay $0x2  }
0x80: {  	[tilespmem:s14], [sflag:$0x1] =	stream.indirect_vreg.gather [hbm4b:s1+s3], $0x80, v4, vm0, $0xb8;
	[tilespmem:$0x10700] =	vst v63  }
0x81: {  	_ = 	snop  }
0x82: {  	[tilespmem:s15], [sflag:$0x1] =	stream.indirect_vreg.gather [hbm4b:s1+s3], $0x80, v3, vm0, $0xb8;
	[tilespmem:$0x10700] =	vst v63  }
0x83: {  	v3 =	vld [tilespmem:$0x80];
	_ =	sdelay $0x4  }
0x84: {  	v56 =	vshll.u32 v3, $0x1  }
0x85: {  	v3 =	vand.u32 $0x7, v3;
	v4 =	vand.u32 $0xFFFFFFF0, v56  }
0x86: {  	v3 =	vor.u32 v3, v4  }
0x87: {  	v4 =	vperm.xlane v3, v0;
	_ =	sdelay $0x1  }
0x88: {  	v3 =	vperm.xlane v3, v2;
	v4 =	vadd.s32 v1, v4;
	_ =	sdelay $0x1  }
0x89: {  	v3 =	vadd.s32 v1, v3;
	_ =	sdelay $0x2  }
0x8a: {  	[tilespmem:s16], [sflag:$0x1] =	stream.indirect_vreg.gather [hbm4b:s1+s3], $0x80, v4, vm0, $0xb8;
	[tilespmem:$0x10700] =	vst v63  }
0x8b: {  	_ = 	snop  }
0x8c: {  	[tilespmem:s17], [sflag:$0x1] =	stream.indirect_vreg.gather [hbm4b:s1+s3], $0x80, v3, vm0, $0xb8;
	[tilespmem:$0x10700] =	vst v63  }
0x8d: {  	v3 =	vld [tilespmem:$0x90];
	_ =	sdelay $0x4  }
0x8e: {  	v57 =	vshll.u32 v3, $0x1  }
0x8f: {  	v3 =	vand.u32 $0x7, v3;
	v4 =	vand.u32 $0xFFFFFFF0, v57  }
0x90: {  	v3 =	vor.u32 v3, v4  }
0x91: {  	v4 =	vperm.xlane v3, v0;
	_ =	sdelay $0x1  }
0x92: {  	v3 =	vperm.xlane v3, v2;
	v4 =	vadd.s32 v1, v4;
	_ =	sdelay $0x1  }
0x93: {  	v3 =	vadd.s32 v1, v3;
	_ =	sdelay $0x2  }
0x94: {  	[tilespmem:s18], [sflag:$0x1] =	stream.indirect_vreg.gather [hbm4b:s1+s3], $0x80, v4, vm0, $0xb8;
	[tilespmem:$0x10700] =	vst v63  }
0x95: {  	_ = 	snop  }
0x96: {  	[tilespmem:s19], [sflag:$0x1] =	stream.indirect_vreg.gather [hbm4b:s1+s3], $0x80, v3, vm0, $0xb8;
	[tilespmem:$0x10700] =	vst v63  }
0x97: {  	v3 =	vld [tilespmem:$0xA0];
	_ =	sdelay $0x4  }
0x98: {  	v58 =	vshll.u32 v3, $0x1  }
0x99: {  	v3 =	vand.u32 $0x7, v3;
	v4 =	vand.u32 $0xFFFFFFF0, v58  }
0x9a: {  	v3 =	vor.u32 v3, v4  }
0x9b: {  	v4 =	vperm.xlane v3, v0;
	_ =	sdelay $0x1  }
0x9c: {  	v3 =	vperm.xlane v3, v2;
	v4 =	vadd.s32 v1, v4;
	_ =	sdelay $0x1  }
0x9d: {  	v3 =	vadd.s32 v1, v3;
	_ =	sdelay $0x2  }
0x9e: {  	[tilespmem:s20], [sflag:$0x1] =	stream.indirect_vreg.gather [hbm4b:s1+s3], $0x80, v4, vm0, $0xb8;
	[tilespmem:$0x10700] =	vst v63  }
0x9f: {  	_ = 	snop  }
0xa0: {  	[tilespmem:s21], [sflag:$0x1] =	stream.indirect_vreg.gather [hbm4b:s1+s3], $0x80, v3, vm0, $0xb8;
	[tilespmem:$0x10700] =	vst v63  }
0xa1: {  	v3 =	vld [tilespmem:$0xB0];
	_ =	sdelay $0x4  }
0xa2: {  	v59 =	vshll.u32 v3, $0x1  }
0xa3: {  	v3 =	vand.u32 $0x7, v3;
	v4 =	vand.u32 $0xFFFFFFF0, v59  }
0xa4: {  	v3 =	vor.u32 v3, v4  }
0xa5: {  	v4 =	vperm.xlane v3, v0;
	_ =	sdelay $0x1  }
0xa6: {  	v3 =	vperm.xlane v3, v2;
	v4 =	vadd.s32 v1, v4;
	_ =	sdelay $0x1  }
0xa7: {  	v3 =	vadd.s32 v1, v3;
	_ =	sdelay $0x2  }
0xa8: {  	[tilespmem:s22], [sflag:$0x1] =	stream.indirect_vreg.gather [hbm4b:s1+s3], $0x80, v4, vm0, $0xb8;
	[tilespmem:$0x10700] =	vst v63  }
0xa9: {  	_ = 	snop  }
0xaa: {  	[tilespmem:s23], [sflag:$0x1] =	stream.indirect_vreg.gather [hbm4b:s1+s3], $0x80, v3, vm0, $0xb8;
	[tilespmem:$0x10700] =	vst v63  }
0xab: {  	v3 =	vld [tilespmem:$0xC0];
	_ =	sdelay $0x4  }
0xac: {  	v60 =	vshll.u32 v3, $0x1  }
0xad: {  	v3 =	vand.u32 $0x7, v3;
	v4 =	vand.u32 $0xFFFFFFF0, v60  }
0xae: {  	v3 =	vor.u32 v3, v4  }
0xaf: {  	v4 =	vperm.xlane v3, v0;
	_ =	sdelay $0x1  }
0xb0: {  	v3 =	vperm.xlane v3, v2;
	v4 =	vadd.s32 v1, v4;
	_ =	sdelay $0x1  }
0xb1: {  	v3 =	vadd.s32 v1, v3;
	_ =	sdelay $0x2  }
0xb2: {  	[tilespmem:s24], [sflag:$0x1] =	stream.indirect_vreg.gather [hbm4b:s1+s3], $0x80, v4, vm0, $0xb8;
	[tilespmem:$0x10700] =	vst v63  }
0xb3: {  	_ = 	snop  }
0xb4: {  	[tilespmem:s25], [sflag:$0x1] =	stream.indirect_vreg.gather [hbm4b:s1+s3], $0x80, v3, vm0, $0xb8;
	[tilespmem:$0x10700] =	vst v63  }
0xb5: {  	v3 =	vld [tilespmem:$0xD0];
	_ =	sdelay $0x4  }
0xb6: {  	v61 =	vshll.u32 v3, $0x1  }
0xb7: {  	v3 =	vand.u32 $0x7, v3;
	v4 =	vand.u32 $0xFFFFFFF0, v61  }
0xb8: {  	v3 =	vor.u32 v3, v4  }
0xb9: {  	v4 =	vperm.xlane v3, v0;
	_ =	sdelay $0x1  }
0xba: {  	v3 =	vperm.xlane v3, v2;
	v4 =	vadd.s32 v1, v4;
	_ =	sdelay $0x1  }
0xbb: {  	v3 =	vadd.s32 v1, v3;
	_ =	sdelay $0x2  }
0xbc: {  	[tilespmem:s26], [sflag:$0x1] =	stream.indirect_vreg.gather [hbm4b:s1+s3], $0x80, v4, vm0, $0xb8;
	[tilespmem:$0x10700] =	vst v63  }
0xbd: {  	_ = 	snop  }
0xbe: {  	[tilespmem:s28], [sflag:$0x1] =	stream.indirect_vreg.gather [hbm4b:s1+s3], $0x80, v3, vm0, $0xb8;
	[tilespmem:$0x10700] =	vst v63  }
0xbf: {  	v3 =	vld [tilespmem:$0xE0];
	_ =	sdelay $0x4  }
0xc0: {  	v62 =	vshll.u32 v3, $0x1  }
0xc1: {  	v3 =	vand.u32 $0x7, v3;
	v4 =	vand.u32 $0xFFFFFFF0, v62  }
0xc2: {  	v3 =	vor.u32 v3, v4  }
0xc3: {  	v4 =	vperm.xlane v3, v0;
	_ =	sdelay $0x1  }
0xc4: {  	v3 =	vperm.xlane v3, v2;
	v4 =	vadd.s32 v1, v4;
	_ =	sdelay $0x1  }
0xc5: {  	v3 =	vadd.s32 v1, v3;
	_ =	sdelay $0x2  }
0xc6: {  	[tilespmem:s29], [sflag:$0x1] =	stream.indirect_vreg.gather [hbm4b:s1+s3], $0x80, v4, vm0, $0xb8;
	[tilespmem:$0x10700] =	vst v63  }
0xc7: {  	_ = 	snop  }
0xc8: {  	[tilespmem:s30], [sflag:$0x1] =	stream.indirect_vreg.gather [hbm4b:s1+s3], $0x80, v3, vm0, $0xb8;
	[tilespmem:$0x10700] =	vst v63  }
0xc9: {  	v3 =	vld [tilespmem:$0xF0];
	_ =	sdelay $0x4  }
0xca: {  	v63 =	vshll.u32 v3, $0x1  }
0xcb: {  	v3 =	vand.u32 $0x7, v3;
	v4 =	vand.u32 $0xFFFFFFF0, v63  }
0xcc: {  	v3 =	vor.u32 v3, v4  }
0xcd: {  	v4 =	vperm.xlane v3, v0;
	_ =	sdelay $0x1  }
0xce: {  	v3 =	vperm.xlane v3, v2;
	v4 =	vadd.s32 v1, v4;
	_ =	sdelay $0x1  }
0xcf: {  	v3 =	vadd.s32 v1, v3;
	_ =	sdelay $0x2  }
0xd0: {  	[tilespmem:s31], [sflag:$0x1] =	stream.indirect_vreg.gather [hbm4b:s1+s3], $0x80, v4, vm0, $0xb8;
	[tilespmem:$0x10700] =	vst v63  }
0xd1: {  	_ = 	snop  }
0xd2: {  	[tilespmem:s2], [sflag:$0x1] =	stream.indirect_vreg.gather [hbm4b:s1+s3], $0x80, v3, vm0, $0xb8;
	[tilespmem:$0x10700] =	vst v63  }
0xd3: {  	_ =	swait.ge [sflag:s8], $0x10000  }
0xd4: {  	p0 =	sne.s32 s4, $0x1;
	[sflag:s8] =	ssyncset.done $0x0  }
.Ltmp0:
0xd5: {  	s10 =	rddreg [dreg:$0x9];
	[sflag:s8] =	ssyncadd.s32 $0xFFFF0000;
	(pc) =	sbr.rel @p0 .LBB2_1-.Ltmp0, $4  }
0xd6: {  	[hbm4b:s10+s3] =	stream.linear.scatter [tilespmem:s9], [sflag:$0x2], $0x10000, $0x38;
	[tilespmem:$0x10700] =	vst v63  }
0xd7: {  	_ =	swait.ge [sflag:s5], $0x10000  }
0xd8: {  	[sflag:s5] =	ssyncset.done $0x0  }
0xd9: {  	s4 =	sadd.s32 $0xFFFFFFFF, s4;
	[sflag:s5] =	ssyncadd.s32 $0xFFFF0000  }
0xda: {  	_ =	sfence.sel $0x180000  }
0xdb: {  	[bflag:$0x0] =	sbarrier.arrive $0xFFFF  }
0xdc: {  	_ =	strace $0x9000004A  }
0xdd: {  	s0 =	stileid.u32;
	[bflag:$0x2] =	sbarrier.arrive $0xFFFF  }
0xde: {  	p0 =	sne.s32 s0, $0x0;
	s0 =	rddreg [dreg:$0x4]  }
0xdf: {  	s0 =	sadd.s32 @!p0 $0x100000, s0  }
0xe0: {  	[sflag:s0] =	ssyncadd.tile.s32 @!p0 $0x1;
	_ =	shalt  }
.Lfunc_end2:
_tile_overlayer_lowered:
.L_overlay_start_2:
0xe1: {  	(tag) =	ssettag $0x2  }
0xe2: {  	s0 =	rddreg [dreg:$0x0];
	s2 =	stileid.u32  }
0xe3: {  	s1 =	rddreg [dreg:$0x1];
	p0 =	sne.s32 s2, $0x0  }
0xe4: {  	s3 =	rddreg [dreg:$0x2];
	[bflag:$0x3] =	sbarrier.arrive $0xFFFF;
	s2 =	simm.s32 @!p0 $0x1C02  }
0xe5: {  	[timem:s3], [sflag:s2] =	dma.local @!p0 [hbm:s0], s1  }
0xe6: {  	s0 =	simm.s32 @!p0 $0x2  }
0xe7: {  	_ =	swait.ge @!p0 [sflag:s0], s1  }
0xe8: {  	s1 =	ssub.s32 @!p0 $0x0, s1;
	[sflag:s0] =	ssyncset.done @!p0 $0x0  }
0xe9: {  	[sflag:s0] =	ssyncadd.s32 @!p0 s1  }
0xea: {  	[bflag:$0x3] =	sbarrier.arrive $0xFFFF  }
0xeb: {  	_ =	shalt  }

</sc_bundles>
